<compile_context>
chip_gen: v7x
topology: tpu7x:2x2x1
jax: 0.10.2.dev20260603
libtpu: 0.0.44.dev20260713+nightly
codegen_flags: <defaults>
</compile_context>

<pallas_src>
import functools

import jax
import jax.numpy as jnp
from jax import lax
from jax.experimental import pallas as pl
from jax.experimental.pallas import tpu as pltpu
from jax.experimental.pallas import tpu_sc as plsc

R = 64
N = 8192
TOPK = 128
NC = 2
NS = 16
L = 16
NW = NC * NS
ROWS_PER_W = R // NW
NV_FULL = N // L

import numpy as np

MININT = np.int32(-2147483648)
POSMASK = np.int32(0x7FFFFFFF)


def _sc_topk_body(x_hbm, ov_hbm, oi_hbm, row_v, bak, bai, bbk, bbi, wk, wi, wv):
    wid = lax.axis_index("c") * NS + lax.axis_index("s")
    lane = lax.iota(jnp.int32, L)
    zero_v = jnp.zeros((L,), jnp.int32)

    def do_row(r, _unused):
        row = wid * ROWS_PER_W + r
        pltpu.sync_copy(x_hbm.at[pl.ds(row * N, N)], row_v)

        def make_append(dst_k, dst_i):
            def append(src_base, count, woffv):
                trips = (count + L - 1) >> 4

                def body(i, _):
                    kv = dst_k[pl.ds(src_base + i * L, L)]
                    iv = dst_i[pl.ds(src_base + i * L, L)]
                    off = i * L + lane
                    valid = off < count
                    pos = woffv + off
                    plsc.store_scatter(wk, [pos], kv, mask=valid)
                    plsc.store_scatter(wi, [pos], iv, mask=valid)
                    return 0

                lax.fori_loop(0, trips, body, 0)
                return woffv + count

            return append

        def decide(dst_k, dst_i, cnt_hi, cnt_lo, state, is_last):
            n, k, base, woffv, done = state
            append = make_append(dst_k, dst_i)
            keep_hi = cnt_hi >= k
            app1 = jnp.logical_and(jnp.logical_not(done),
                                   jnp.logical_not(keep_hi))
            woffv = append(jnp.int32(0), jnp.where(app1, cnt_hi, 0), woffv)
            n2 = jnp.where(keep_hi, cnt_hi, cnt_lo)
            k2 = jnp.where(keep_hi, k, k - cnt_hi)
            base2 = jnp.where(keep_hi, jnp.int32(0), jnp.int32(N))
            n2 = jnp.where(done, n, n2)
            k2 = jnp.where(done, k, k2)
            base2 = jnp.where(done, base, base2)
            trig = jnp.logical_and(
                jnp.logical_not(done),
                jnp.logical_or(n2 == k2, jnp.bool_(is_last)))
            woffv = append(base2, jnp.where(trig, k2, 0), woffv)
            done2 = jnp.logical_or(done, trig)
            return (n2, k2, base2, woffv, done2)

        def half_pass(bit, srcs, dsts, state, is_last):
            n, k, base, woffv, done = state
            src_k, src_i = srcs
            dst_k, dst_i = dsts
            nv = jnp.where(done, 0, (n + L - 1) >> 4)

            def body(i, carry):
                oh, ol = carry
                kv = src_k[pl.ds(base + i * L, L)]
                iv = src_i[pl.ds(base + i * L, L)]
                off = i * L + lane
                valid = off < n
                bitv = lax.shift_right_logical(
                    kv, jnp.full((L,), bit, jnp.int32)) & 1
                mhi = jnp.logical_and(bitv == 1, valid)
                mlo = jnp.logical_and(bitv == 0, valid)
                cs_hi = plsc.cumsum(mhi.astype(jnp.int32))
                cs_lo = plsc.cumsum(mlo.astype(jnp.int32))
                plsc.store_scatter(dst_k, [oh + cs_hi - 1], kv, mask=mhi)
                plsc.store_scatter(dst_i, [oh + cs_hi - 1], iv, mask=mhi)
                plsc.store_scatter(dst_k, [N + (ol + cs_lo - 1)], kv, mask=mlo)
                plsc.store_scatter(dst_i, [N + (ol + cs_lo - 1)], iv, mask=mlo)
                return (oh + plsc.all_reduce_population_count(mhi),
                        ol + plsc.all_reduce_population_count(mlo))

            oh, ol = lax.fori_loop(0, nv, body, (zero_v, zero_v))
            return decide(dst_k, dst_i, jnp.max(oh), jnp.max(ol), state,
                          is_last)

        def pre_body(i, carry):
            oh, ol = carry
            x = row_v[pl.ds(i * L, L)]
            u = lax.bitcast_convert_type(x, jnp.int32)
            key = u ^ ((u >> 31) | MININT)
            idx = i * L + lane
            mhi = key < 0
            mlo = jnp.logical_not(mhi)
            cs_hi = plsc.cumsum(mhi.astype(jnp.int32))
            cs_lo = plsc.cumsum(mlo.astype(jnp.int32))
            plsc.store_scatter(bbk, [oh + cs_hi - 1], key, mask=mhi)
            plsc.store_scatter(bbi, [oh + cs_hi - 1], idx, mask=mhi)
            plsc.store_scatter(bbk, [N + (ol + cs_lo - 1)], key, mask=mlo)
            plsc.store_scatter(bbi, [N + (ol + cs_lo - 1)], idx, mask=mlo)
            return (oh + plsc.all_reduce_population_count(mhi),
                    ol + plsc.all_reduce_population_count(mlo))

        oh, ol = lax.fori_loop(0, NV_FULL, pre_body, (zero_v, zero_v))
        state = (jnp.int32(N), jnp.int32(TOPK), jnp.int32(0), zero_v,
                 jnp.bool_(False))
        state = decide(bbk, bbi, jnp.max(oh), jnp.max(ol), state, False)

        def outer(j, st):
            b1 = 30 - 2 * j
            st = half_pass(b1, (bbk, bbi), (bak, bai), st, False)
            st = half_pass(b1 - 1, (bak, bai), (bbk, bbi), st, False)
            return st

        state = lax.fori_loop(0, 15, outer, state)
        state = half_pass(0, (bbk, bbi), (bak, bai), state, True)

        def conv(i, _):
            kv = wk[pl.ds(i * L, L)]
            m = jnp.where(kv < 0, MININT, POSMASK)
            wv[pl.ds(i * L, L)] = lax.bitcast_convert_type(kv ^ m, jnp.float32)
            return 0

        lax.fori_loop(0, TOPK // L, conv, 0)
        pltpu.sync_copy(wv, ov_hbm.at[pl.ds(row * TOPK, TOPK)])
        pltpu.sync_copy(wi, oi_hbm.at[pl.ds(row * TOPK, TOPK)])
        return 0

    lax.fori_loop(0, ROWS_PER_W, do_row, 0)


@functools.lru_cache(maxsize=1)
def _build_sc_topk():
    mesh = plsc.VectorSubcoreMesh(core_axis_name="c", subcore_axis_name="s")
    return pl.kernel(
        _sc_topk_body,
        out_type=(jax.ShapeDtypeStruct((R * TOPK,), jnp.float32),
                  jax.ShapeDtypeStruct((R * TOPK,), jnp.int32)),
        mesh=mesh,
        compiler_params=pltpu.CompilerParams(needs_layout_passes=False),
        scratch_types=[
            pltpu.VMEM((N,), jnp.float32),
            pltpu.VMEM((2 * N + L,), jnp.int32),
            pltpu.VMEM((2 * N + L,), jnp.int32),
            pltpu.VMEM((2 * N + L,), jnp.int32),
            pltpu.VMEM((2 * N + L,), jnp.int32),
            pltpu.VMEM((TOPK,), jnp.int32),
            pltpu.VMEM((TOPK,), jnp.int32),
            pltpu.VMEM((TOPK,), jnp.float32),
        ],
    )


def _tc_sort_body(v_ref, i_ref, ov_ref, oi_ref):
    v = v_ref[...]
    ix = i_ref[...]
    va = v[:, :, None]
    vb = v[:, None, :]
    ia = ix[:, :, None]
    ib = ix[:, None, :]
    beats = jnp.logical_or(vb > va, jnp.logical_and(vb == va, ib < ia))
    rank = jnp.sum(beats.astype(jnp.int32), axis=2)
    p = lax.broadcasted_iota(jnp.int32, (R, TOPK, TOPK), 2)
    sel = rank[:, :, None] == p
    ov_ref[...] = jnp.sum(jnp.where(sel, va, 0.0), axis=1)
    oi_ref[...] = jnp.sum(jnp.where(sel, ia, 0), axis=1)


_tc_sort = pl.pallas_call(
    _tc_sort_body,
    out_shape=(jax.ShapeDtypeStruct((R, TOPK), jnp.float32),
               jax.ShapeDtypeStruct((R, TOPK), jnp.int32)),
)


def kernel(input):
    flat = input.reshape(R * N)
    cv, ci = _build_sc_topk()(flat)
    return _tc_sort(cv.reshape(R, TOPK), ci.reshape(R, TOPK))

# --- scband reference (transcript-rebuilt; emitter-appended) ---
"""Pipeline reference for scband-straight-through-top-k-54477365182884 (READ-ONLY COPY).

The authoritative reference and input builder live on the scoring server;
editing this copy changes nothing except your own understanding.
"""

import jax, jax.numpy as jnp
import numpy as np

K = 128

def setup_inputs(seed: int = 0) -> dict:
    key = jax.random.key(seed)
    x = jax.random.normal(key, (64, 8192), dtype=jnp.float32)
    return {"input": x}

def reference(input):
    # Faithful to torch.topk(input, k): returns (values, indices) along last dim
    values, indices = jax.lax.top_k(input, K)
    return values, indices

if __name__ == "__main__":
    import jax
    _d = setup_inputs()
    print(jax.jit(kernel)(*tuple(_d.values())))

</pallas_src>

<mosaic_0001>
#map = affine_map<(d0, d1) -> (0)>
module attributes {stable_mosaic.version = 14 : i64} {
  func.func @_sc_topk_body(%arg0: i32, %arg1: i32, %arg2: memref<524288xf32, #tpu.memory_space<hbm>>, %arg3: memref<8192xf32, #tpu.memory_space<hbm>>, %arg4: memref<8192xi32, #tpu.memory_space<hbm>>, %arg5: memref<8192xf32, #tpu.memory_space<vmem>>, %arg6: memref<16400xi32, #tpu.memory_space<vmem>>, %arg7: memref<16400xi32, #tpu.memory_space<vmem>>, %arg8: memref<16400xi32, #tpu.memory_space<vmem>>, %arg9: memref<16400xi32, #tpu.memory_space<vmem>>, %arg10: memref<128xi32, #tpu.memory_space<vmem>>, %arg11: memref<128xi32, #tpu.memory_space<vmem>>, %arg12: memref<128xf32, #tpu.memory_space<vmem>>) attributes {dimension_semantics = [#tpu.dimension_semantics<core_parallel>, #tpu.dimension_semantics<subcore_parallel>], iteration_bounds = array<i64: 2, 16>, scalar_prefetch = 0 : i64, scratch_operands = 8 : i64, tpu.core_type = #tpu.core_type<sc_vector_subcore>, window_params = [{transform_indices = #map}, {transform_indices = #map}, {transform_indices = #map}]} {
    %mul3A = arith.constant 16 : i32
    %mul3A_0 = arith.muli %arg0, %mul3A : i32
    %add3A = arith.addi %mul3A_0, %arg1 : i32
    %iota3A = tpu.iota {dimensions = array<i32: 0>} : vector<16xi32>
    %broadcast_in_dim3A = arith.constant 0 : i32
    %broadcast_in_dim3A_1 = vector.broadcast %broadcast_in_dim3A : i32 to vector<16xi32>
    %scan3A = arith.constant 0 : i32
    %scan3A_2 = arith.constant 0 : i32
    %scan3A_3 = arith.constant 2 : i32
    %scan3A_4 = arith.addi %scan3A_2, %scan3A_3 : i32
    %scan3A_5 = arith.constant 1 : i32
    %scan3A_6 = scf.for %scan3A_8 = %scan3A_2 to %scan3A_4 step %scan3A_5 iter_args(%scan3A_9 = %scan3A) -> (i32)  : i32 {
      %mul3A_10 = arith.constant 2 : i32
      %mul3A_11 = arith.muli %add3A, %mul3A_10 : i32
      %add3A_12 = arith.addi %mul3A_11, %scan3A_8 : i32
      %mul3A_13 = arith.constant 8192 : i32
      %mul3A_14 = arith.muli %add3A_12, %mul3A_13 : i32
      "tpu.region"() ({
        %run_scoped3A = tpu.sem_alloc : memref<!tpu.dma_semaphore, #tpu.memory_space<semaphore_mem>>
        %dma_start3A = tpu.memref_slice %arg2[%mul3A_14] : memref<524288xf32, #tpu.memory_space<hbm>> -> memref<8192xf32, #tpu.memory_space<hbm>>
        %dma_start3A_225 = tpu.memref_slice %arg2[%mul3A_14] : memref<524288xf32, #tpu.memory_space<hbm>> -> memref<8192xf32, #tpu.memory_space<hbm>>
        tpu.enqueue_dma source(%dma_start3A_225 : memref<8192xf32, #tpu.memory_space<hbm>>) target(%arg5 : memref<8192xf32, #tpu.memory_space<vmem>>) target_semaphore(%run_scoped3A : memref<!tpu.dma_semaphore, #tpu.memory_space<semaphore_mem>>)
        %dma_wait3A = tpu.memref_slice %arg2[%mul3A_14] : memref<524288xf32, #tpu.memory_space<hbm>> -> memref<8192xf32, #tpu.memory_space<hbm>>
        %dma_wait3A_226 = tpu.memref_slice %arg2[%mul3A_14] : memref<524288xf32, #tpu.memory_space<hbm>> -> memref<8192xf32, #tpu.memory_space<hbm>>
        tpu.wait_dma2 semaphore(%run_scoped3A : memref<!tpu.dma_semaphore, #tpu.memory_space<semaphore_mem>>) src(%dma_wait3A_226 : memref<8192xf32, #tpu.memory_space<hbm>>) dst(%arg5 : memref<8192xf32, #tpu.memory_space<vmem>>)
        tpu.yield
      }) : () -> ()
      %scan3A_15 = arith.constant 0 : i32
      %scan3A_16 = arith.constant 512 : i32
      %scan3A_17 = arith.addi %scan3A_15, %scan3A_16 : i32
      %scan3A_18 = arith.constant 1 : i32
      %scan3A_19:2 = scf.for %scan3A_225 = %scan3A_15 to %scan3A_17 step %scan3A_18 iter_args(%scan3A_226 = %broadcast_in_dim3A_1, %scan3A_227 = %broadcast_in_dim3A_1) -> (vector<16xi32>, vector<16xi32>)  : i32 {
        %mul3A_228 = arith.constant 16 : i32
        %mul3A_229 = arith.muli %scan3A_225, %mul3A_228 : i32
        %get3A = arith.index_cast %mul3A_229 : i32 to index
        %get3A_230 = tpu.vector_load %arg5[%get3A] {strides = array<i32>} : memref<8192xf32, #tpu.memory_space<vmem>>, vector<16xf32>,
        %bitcast_convert_type3A = tpu.bitcast %get3A_230 : vector<16xf32> -> vector<16xi32>
        %shift_right_arithmetic3A_231 = arith.constant 31 : i32
        %shift_right_arithmetic3A_232 = vector.broadcast %shift_right_arithmetic3A_231 : i32 to vector<16xi32>
        %shift_right_arithmetic3A_233 = arith.shrsi %bitcast_convert_type3A, %shift_right_arithmetic3A_232 : vector<16xi32>
        %or3A_234 = arith.constant -2147483648 : i32
        %or3A_235 = vector.broadcast %or3A_234 : i32 to vector<16xi32>
        %or3A_236 = arith.ori %shift_right_arithmetic3A_233, %or3A_235 : vector<16xi32>
        %xor3A = arith.xori %bitcast_convert_type3A, %or3A_236 : vector<16xi32>
        %mul3A_237 = arith.constant 16 : i32
        %mul3A_238 = arith.muli %scan3A_225, %mul3A_237 : i32
        %add3A_239 = vector.broadcast %mul3A_238 : i32 to vector<16xi32>
        %add3A_240 = arith.addi %add3A_239, %iota3A : vector<16xi32>
        %lt3A = arith.constant 0 : i32
        %lt3A_241 = vector.broadcast %lt3A : i32 to vector<16xi32>
        %lt3A_242 = arith.cmpi slt, %xor3A, %lt3A_241 : vector<16xi32>
        %not3A_243 = arith.constant dense<true> : vector<16xi1>
        %not3A_244 = arith.xori %lt3A_242, %not3A_243 : vector<16xi1>
        %convert_element_type3A = arith.extui %lt3A_242 : vector<16xi1> to vector<16xi32>
        %broadcast_in_dim3A_245 = arith.constant true
        %broadcast_in_dim3A_246 = vector.broadcast %broadcast_in_dim3A_245 : i1 to vector<16xi1>
        %masked_cumsum3A = tpu.scan <sum>, %convert_element_type3A masked %broadcast_in_dim3A_246 : vector<16xi32>, vector<16xi1> -> vector<16xi32>
        %convert_element_type3A_247 = arith.extui %not3A_244 : vector<16xi1> to vector<16xi32>
        %broadcast_in_dim3A_248 = arith.constant true
        %broadcast_in_dim3A_249 = vector.broadcast %broadcast_in_dim3A_248 : i1 to vector<16xi1>
        %masked_cumsum3A_250 = tpu.scan <sum>, %convert_element_type3A_247 masked %broadcast_in_dim3A_249 : vector<16xi32>, vector<16xi1> -> vector<16xi32>
        %add3A_251 = arith.addi %scan3A_226, %masked_cumsum3A : vector<16xi32>
        %sub3A_252 = arith.constant 1 : i32
        %sub3A_253 = vector.broadcast %sub3A_252 : i32 to vector<16xi32>
        %sub3A_254 = arith.subi %add3A_251, %sub3A_253 : vector<16xi32>
        tpu.vector_store_idx %arg8[%sub3A_254], %xor3A masked %lt3A_242 : memref<16400xi32, #tpu.memory_space<vmem>>[vector<16xi32>], vector<16xi32>, vector<16xi1>
        %add3A_255 = arith.addi %scan3A_226, %masked_cumsum3A : vector<16xi32>
        %sub3A_256 = arith.constant 1 : i32
        %sub3A_257 = vector.broadcast %sub3A_256 : i32 to vector<16xi32>
        %sub3A_258 = arith.subi %add3A_255, %sub3A_257 : vector<16xi32>
        tpu.vector_store_idx %arg9[%sub3A_258], %add3A_240 masked %lt3A_242 : memref<16400xi32, #tpu.memory_space<vmem>>[vector<16xi32>], vector<16xi32>, vector<16xi1>
        %add3A_259 = arith.addi %scan3A_227, %masked_cumsum3A_250 : vector<16xi32>
        %sub3A_260 = arith.constant 1 : i32
        %sub3A_261 = vector.broadcast %sub3A_260 : i32 to vector<16xi32>
        %sub3A_262 = arith.subi %add3A_259, %sub3A_261 : vector<16xi32>
        %add3A_263 = arith.constant 8192 : i32
        %add3A_264 = vector.broadcast %add3A_263 : i32 to vector<16xi32>
        %add3A_265 = arith.addi %add3A_264, %sub3A_262 : vector<16xi32>
        tpu.vector_store_idx %arg8[%add3A_265], %xor3A masked %not3A_244 : memref<16400xi32, #tpu.memory_space<vmem>>[vector<16xi32>], vector<16xi32>, vector<16xi1>
        %add3A_266 = arith.addi %scan3A_227, %masked_cumsum3A_250 : vector<16xi32>
        %sub3A_267 = arith.constant 1 : i32
        %sub3A_268 = vector.broadcast %sub3A_267 : i32 to vector<16xi32>
        %sub3A_269 = arith.subi %add3A_266, %sub3A_268 : vector<16xi32>
        %add3A_270 = arith.constant 8192 : i32
        %add3A_271 = vector.broadcast %add3A_270 : i32 to vector<16xi32>
        %add3A_272 = arith.addi %add3A_271, %sub3A_269 : vector<16xi32>
        tpu.vector_store_idx %arg9[%add3A_272], %add3A_240 masked %not3A_244 : memref<16400xi32, #tpu.memory_space<vmem>>[vector<16xi32>], vector<16xi32>, vector<16xi1>
        %all_reduce_population_count3A = tpu.all_reduce %lt3A_242 {dim = 0 : i64, kind = #tpu.reduction_kind<sum>} : vector<16xi1> -> vector<16xi32>
        %add3A_273 = arith.addi %scan3A_226, %all_reduce_population_count3A : vector<16xi32>
        %all_reduce_population_count3A_274 = tpu.all_reduce %not3A_244 {dim = 0 : i64, kind = #tpu.reduction_kind<sum>} : vector<16xi1> -> vector<16xi32>
        %add3A_275 = arith.addi %scan3A_227, %all_reduce_population_count3A_274 : vector<16xi32>
        scf.yield %add3A_273, %add3A_275 : vector<16xi32>, vector<16xi32>
      }
      %scan3A_20 = arith.constant 512 : i32
      %reduce_max3A = arith.constant true
      %reduce_max3A_21 = vector.broadcast %reduce_max3A : i1 to vector<16xi1>
      %reduce_max3A_22 = arith.constant -2147483648 : i32
      %reduce_max3A_23 = vector.broadcast %reduce_max3A_22 : i32 to vector<16xi32>
      %reduce_max3A_24 = arith.xori %scan3A_19#0, %reduce_max3A_23 : vector<16xi32>
      %reduce_max3A_25 = tpu.scan <max>, %reduce_max3A_24 masked %reduce_max3A_21 : vector<16xi32>, vector<16xi1> -> vector<16xi32>
      %reduce_max3A_26 = arith.xori %reduce_max3A_25, %reduce_max3A_23 : vector<16xi32>
      %reduce_max3A_27 = vector.extract %reduce_max3A_26[15] : i32 from vector<16xi32>
      %reduce_max3A_28 = arith.constant true
      %reduce_max3A_29 = vector.broadcast %reduce_max3A_28 : i1 to vector<16xi1>
      %reduce_max3A_30 = arith.constant -2147483648 : i32
      %reduce_max3A_31 = vector.broadcast %reduce_max3A_30 : i32 to vector<16xi32>
      %reduce_max3A_32 = arith.xori %scan3A_19#1, %reduce_max3A_31 : vector<16xi32>
      %reduce_max3A_33 = tpu.scan <max>, %reduce_max3A_32 masked %reduce_max3A_29 : vector<16xi32>, vector<16xi1> -> vector<16xi32>
      %reduce_max3A_34 = arith.xori %reduce_max3A_33, %reduce_max3A_31 : vector<16xi32>
      %reduce_max3A_35 = vector.extract %reduce_max3A_34[15] : i32 from vector<16xi32>
      %ge3A = arith.constant 128 : i32
      %ge3A_36 = arith.cmpi sge, %reduce_max3A_27, %ge3A : i32
      %not3A = arith.constant false
      %not3A_37 = arith.constant true
      %not3A_38 = arith.xori %not3A, %not3A_37 : i1
      %not3A_39 = arith.constant true
      %not3A_40 = arith.xori %ge3A_36, %not3A_39 : i1
      %and3A = arith.andi %not3A_38, %not3A_40 : i1
      %jit3A = arith.constant 0 : i32
      %select_n3A = arith.select %and3A, %reduce_max3A_27, %jit3A : i32
      %add3A_41 = arith.constant 16 : i32
      %add3A_42 = arith.addi %select_n3A, %add3A_41 : i32
      %sub3A = arith.constant 1 : i32
      %sub3A_43 = arith.subi %add3A_42, %sub3A : i32
      %shift_right_arithmetic3A = arith.constant 4 : i32
      %shift_right_arithmetic3A_44 = arith.shrsi %sub3A_43, %shift_right_arithmetic3A : i32
      %while3A = arith.constant 0 : i32
      %while3A_45 = arith.constant 0 : i32
      %while3A_46 = arith.constant 0 : i32
      %while3A_47 = arith.subi %shift_right_arithmetic3A_44, %while3A_45 : i32
      %while3A_48 = arith.addi %while3A_45, %while3A_47 : i32
      %while3A_49 = arith.constant 1 : i32
      %while3A_50 = arith.divsi %while3A_47, %while3A_49 : i32
      %while3A_51 = arith.muli %while3A_50, %while3A_49 : i32
      %while3A_52 = arith.addi %while3A_45, %while3A_51 : i32
      %while3A_53 = arith.constant 1 : i32
      %while3A_54 = scf.for %while3A_225 = %while3A_45 to %while3A_52 step %while3A_53 iter_args(%while3A_226 = %while3A_46) -> (i32)  : i32 {
        %mul3A_227 = arith.constant 16 : i32
        %mul3A_228 = arith.muli %while3A_225, %mul3A_227 : i32
        %add3A_229 = arith.addi %while3A, %mul3A_228 : i32
        %get3A = arith.index_cast %add3A_229 : i32 to index
        %get3A_230 = tpu.vector_load %arg8[%get3A] {strides = array<i32>} : memref<16400xi32, #tpu.memory_space<vmem>>, vector<16xi32>,
        %mul3A_231 = arith.constant 16 : i32
        %mul3A_232 = arith.muli %while3A_225, %mul3A_231 : i32
        %add3A_233 = arith.addi %while3A, %mul3A_232 : i32
        %get3A_234 = arith.index_cast %add3A_233 : i32 to index
        %get3A_235 = tpu.vector_load %arg9[%get3A_234] {strides = array<i32>} : memref<16400xi32, #tpu.memory_space<vmem>>, vector<16xi32>,
        %mul3A_236 = arith.constant 16 : i32
        %mul3A_237 = arith.muli %while3A_225, %mul3A_236 : i32
        %add3A_238 = vector.broadcast %mul3A_237 : i32 to vector<16xi32>
        %add3A_239 = arith.addi %add3A_238, %iota3A : vector<16xi32>
        %lt3A = vector.broadcast %select_n3A : i32 to vector<16xi32>
        %lt3A_240 = arith.cmpi slt, %add3A_239, %lt3A : vector<16xi32>
        %add3A_241 = arith.addi %broadcast_in_dim3A_1, %add3A_239 : vector<16xi32>
        tpu.vector_store_idx %arg10[%add3A_241], %get3A_230 masked %lt3A_240 : memref<128xi32, #tpu.memory_space<vmem>>[vector<16xi32>], vector<16xi32>, vector<16xi1>
        tpu.vector_store_idx %arg11[%add3A_241], %get3A_235 masked %lt3A_240 : memref<128xi32, #tpu.memory_space<vmem>>[vector<16xi32>], vector<16xi32>, vector<16xi1>
        %while3A_242 = arith.constant 0 : i32
        scf.yield %while3A_242 : i32
      }
      %while3A_55 = arith.constant 1 : i32
      %while3A_56 = scf.for %while3A_225 = %while3A_52 to %while3A_48 step %while3A_55 iter_args(%while3A_226 = %while3A_54) -> (i32)  : i32 {
        %mul3A_227 = arith.constant 16 : i32
        %mul3A_228 = arith.muli %while3A_225, %mul3A_227 : i32
        %add3A_229 = arith.addi %while3A, %mul3A_228 : i32
        %get3A = arith.index_cast %add3A_229 : i32 to index
        %get3A_230 = tpu.vector_load %arg8[%get3A] {strides = array<i32>} : memref<16400xi32, #tpu.memory_space<vmem>>, vector<16xi32>,
        %mul3A_231 = arith.constant 16 : i32
        %mul3A_232 = arith.muli %while3A_225, %mul3A_231 : i32
        %add3A_233 = arith.addi %while3A, %mul3A_232 : i32
        %get3A_234 = arith.index_cast %add3A_233 : i32 to index
        %get3A_235 = tpu.vector_load %arg9[%get3A_234] {strides = array<i32>} : memref<16400xi32, #tpu.memory_space<vmem>>, vector<16xi32>,
        %mul3A_236 = arith.constant 16 : i32
        %mul3A_237 = arith.muli %while3A_225, %mul3A_236 : i32
        %add3A_238 = vector.broadcast %mul3A_237 : i32 to vector<16xi32>
        %add3A_239 = arith.addi %add3A_238, %iota3A : vector<16xi32>
        %lt3A = vector.broadcast %select_n3A : i32 to vector<16xi32>
        %lt3A_240 = arith.cmpi slt, %add3A_239, %lt3A : vector<16xi32>
        %add3A_241 = arith.addi %broadcast_in_dim3A_1, %add3A_239 : vector<16xi32>
        tpu.vector_store_idx %arg10[%add3A_241], %get3A_230 masked %lt3A_240 : memref<128xi32, #tpu.memory_space<vmem>>[vector<16xi32>], vector<16xi32>, vector<16xi1>
        tpu.vector_store_idx %arg11[%add3A_241], %get3A_235 masked %lt3A_240 : memref<128xi32, #tpu.memory_space<vmem>>[vector<16xi32>], vector<16xi32>, vector<16xi1>
        %while3A_242 = arith.constant 0 : i32
        scf.yield %while3A_242 : i32
      }
      %add3A_57 = vector.broadcast %select_n3A : i32 to vector<16xi32>
      %add3A_58 = arith.addi %broadcast_in_dim3A_1, %add3A_57 : vector<16xi32>
      %select_n3A_59 = arith.select %ge3A_36, %reduce_max3A_27, %reduce_max3A_35 : i32
      %sub3A_60 = arith.constant 128 : i32
      %sub3A_61 = arith.subi %sub3A_60, %reduce_max3A_27 : i32
      %jit3A_62 = arith.constant 128 : i32
      %select_n3A_63 = arith.select %ge3A_36, %jit3A_62, %sub3A_61 : i32
      %jit3A_64 = arith.constant 0 : i32
      %jit3A_65 = arith.constant 8192 : i32
      %select_n3A_66 = arith.select %ge3A_36, %jit3A_64, %jit3A_65 : i32
      %jit3A_67 = arith.constant false
      %jit3A_68 = arith.constant 8192 : i32
      %select_n3A_69 = arith.select %jit3A_67, %jit3A_68, %select_n3A_59 : i32
      %jit3A_70 = arith.constant false
      %jit3A_71 = arith.constant 128 : i32
      %select_n3A_72 = arith.select %jit3A_70, %jit3A_71, %select_n3A_63 : i32
      %jit3A_73 = arith.constant false
      %jit3A_74 = arith.constant 0 : i32
      %select_n3A_75 = arith.select %jit3A_73, %jit3A_74, %select_n3A_66 : i32
      %not3A_76 = arith.constant false
      %not3A_77 = arith.constant true
      %not3A_78 = arith.xori %not3A_76, %not3A_77 : i1
      %eq3A = arith.cmpi eq, %select_n3A_69, %select_n3A_72 : i32
      %or3A = arith.constant false
      %or3A_79 = arith.ori %eq3A, %or3A : i1
      %and3A_80 = arith.andi %not3A_78, %or3A_79 : i1
      %jit3A_81 = arith.constant 0 : i32
      %select_n3A_82 = arith.select %and3A_80, %select_n3A_72, %jit3A_81 : i32
      %add3A_83 = arith.constant 16 : i32
      %add3A_84 = arith.addi %select_n3A_82, %add3A_83 : i32
      %sub3A_85 = arith.constant 1 : i32
      %sub3A_86 = arith.subi %add3A_84, %sub3A_85 : i32
      %shift_right_arithmetic3A_87 = arith.constant 4 : i32
      %shift_right_arithmetic3A_88 = arith.shrsi %sub3A_86, %shift_right_arithmetic3A_87 : i32
      %while3A_89 = arith.constant 0 : i32
      %while3A_90 = arith.constant 0 : i32
      %while3A_91 = arith.subi %shift_right_arithmetic3A_88, %while3A_89 : i32
      %while3A_92 = arith.addi %while3A_89, %while3A_91 : i32
      %while3A_93 = arith.constant 1 : i32
      %while3A_94 = arith.divsi %while3A_91, %while3A_93 : i32
      %while3A_95 = arith.muli %while3A_94, %while3A_93 : i32
      %while3A_96 = arith.addi %while3A_89, %while3A_95 : i32
      %while3A_97 = arith.constant 1 : i32
      %while3A_98 = scf.for %while3A_225 = %while3A_89 to %while3A_96 step %while3A_97 iter_args(%while3A_226 = %while3A_90) -> (i32)  : i32 {
        %mul3A_227 = arith.constant 16 : i32
        %mul3A_228 = arith.muli %while3A_225, %mul3A_227 : i32
        %add3A_229 = arith.addi %select_n3A_75, %mul3A_228 : i32
        %get3A = arith.index_cast %add3A_229 : i32 to index
        %get3A_230 = tpu.vector_load %arg8[%get3A] {strides = array<i32>} : memref<16400xi32, #tpu.memory_space<vmem>>, vector<16xi32>,
        %mul3A_231 = arith.constant 16 : i32
        %mul3A_232 = arith.muli %while3A_225, %mul3A_231 : i32
        %add3A_233 = arith.addi %select_n3A_75, %mul3A_232 : i32
        %get3A_234 = arith.index_cast %add3A_233 : i32 to index
        %get3A_235 = tpu.vector_load %arg9[%get3A_234] {strides = array<i32>} : memref<16400xi32, #tpu.memory_space<vmem>>, vector<16xi32>,
        %mul3A_236 = arith.constant 16 : i32
        %mul3A_237 = arith.muli %while3A_225, %mul3A_236 : i32
        %add3A_238 = vector.broadcast %mul3A_237 : i32 to vector<16xi32>
        %add3A_239 = arith.addi %add3A_238, %iota3A : vector<16xi32>
        %lt3A = vector.broadcast %select_n3A_82 : i32 to vector<16xi32>
        %lt3A_240 = arith.cmpi slt, %add3A_239, %lt3A : vector<16xi32>
        %add3A_241 = arith.addi %add3A_58, %add3A_239 : vector<16xi32>
        tpu.vector_store_idx %arg10[%add3A_241], %get3A_230 masked %lt3A_240 : memref<128xi32, #tpu.memory_space<vmem>>[vector<16xi32>], vector<16xi32>, vector<16xi1>
        tpu.vector_store_idx %arg11[%add3A_241], %get3A_235 masked %lt3A_240 : memref<128xi32, #tpu.memory_space<vmem>>[vector<16xi32>], vector<16xi32>, vector<16xi1>
        %while3A_242 = arith.constant 0 : i32
        scf.yield %while3A_242 : i32
      }
      %while3A_99 = arith.constant 1 : i32
      %while3A_100 = scf.for %while3A_225 = %while3A_96 to %while3A_92 step %while3A_99 iter_args(%while3A_226 = %while3A_98) -> (i32)  : i32 {
        %mul3A_227 = arith.constant 16 : i32
        %mul3A_228 = arith.muli %while3A_225, %mul3A_227 : i32
        %add3A_229 = arith.addi %select_n3A_75, %mul3A_228 : i32
        %get3A = arith.index_cast %add3A_229 : i32 to index
        %get3A_230 = tpu.vector_load %arg8[%get3A] {strides = array<i32>} : memref<16400xi32, #tpu.memory_space<vmem>>, vector<16xi32>,
        %mul3A_231 = arith.constant 16 : i32
        %mul3A_232 = arith.muli %while3A_225, %mul3A_231 : i32
        %add3A_233 = arith.addi %select_n3A_75, %mul3A_232 : i32
        %get3A_234 = arith.index_cast %add3A_233 : i32 to index
        %get3A_235 = tpu.vector_load %arg9[%get3A_234] {strides = array<i32>} : memref<16400xi32, #tpu.memory_space<vmem>>, vector<16xi32>,
        %mul3A_236 = arith.constant 16 : i32
        %mul3A_237 = arith.muli %while3A_225, %mul3A_236 : i32
        %add3A_238 = vector.broadcast %mul3A_237 : i32 to vector<16xi32>
        %add3A_239 = arith.addi %add3A_238, %iota3A : vector<16xi32>
        %lt3A = vector.broadcast %select_n3A_82 : i32 to vector<16xi32>
        %lt3A_240 = arith.cmpi slt, %add3A_239, %lt3A : vector<16xi32>
        %add3A_241 = arith.addi %add3A_58, %add3A_239 : vector<16xi32>
        tpu.vector_store_idx %arg10[%add3A_241], %get3A_230 masked %lt3A_240 : memref<128xi32, #tpu.memory_space<vmem>>[vector<16xi32>], vector<16xi32>, vector<16xi1>
        tpu.vector_store_idx %arg11[%add3A_241], %get3A_235 masked %lt3A_240 : memref<128xi32, #tpu.memory_space<vmem>>[vector<16xi32>], vector<16xi32>, vector<16xi1>
        %while3A_242 = arith.constant 0 : i32
        scf.yield %while3A_242 : i32
      }
      %add3A_101 = vector.broadcast %select_n3A_82 : i32 to vector<16xi32>
      %add3A_102 = arith.addi %add3A_58, %add3A_101 : vector<16xi32>
      %or3A_103 = arith.constant false
      %or3A_104 = arith.ori %or3A_103, %and3A_80 : i1
      %scan3A_105 = arith.constant 0 : i32
      %scan3A_106 = arith.constant 15 : i32
      %scan3A_107 = arith.addi %scan3A_105, %scan3A_106 : i32
      %scan3A_108 = arith.constant 1 : i32
      %scan3A_109:5 = scf.for %scan3A_225 = %scan3A_105 to %scan3A_107 step %scan3A_108 iter_args(%scan3A_226 = %select_n3A_69, %scan3A_227 = %select_n3A_72, %scan3A_228 = %select_n3A_75, %scan3A_229 = %add3A_102, %scan3A_230 = %or3A_104) -> (i32, i32, i32, vector<16xi32>, i1)  : i32 {
        %mul3A_231 = arith.constant 2 : i32
        %mul3A_232 = arith.muli %mul3A_231, %scan3A_225 : i32
        %sub3A_233 = arith.constant 30 : i32
        %sub3A_234 = arith.subi %sub3A_233, %mul3A_232 : i32
        %add3A_235 = arith.constant 16 : i32
        %add3A_236 = arith.addi %scan3A_226, %add3A_235 : i32
        %sub3A_237 = arith.constant 1 : i32
        %sub3A_238 = arith.subi %add3A_236, %sub3A_237 : i32
        %shift_right_arithmetic3A_239 = arith.constant 4 : i32
        %shift_right_arithmetic3A_240 = arith.shrsi %sub3A_238, %shift_right_arithmetic3A_239 : i32
        %jit3A_241 = arith.constant 0 : i32
        %select_n3A_242 = arith.select %scan3A_230, %jit3A_241, %shift_right_arithmetic3A_240 : i32
        %while3A_243 = arith.constant 0 : i32
        %while3A_244 = arith.subi %select_n3A_242, %while3A_243 : i32
        %while3A_245 = arith.addi %while3A_243, %while3A_244 : i32
        %while3A_246 = arith.constant 1 : i32
        %while3A_247 = arith.divsi %while3A_244, %while3A_246 : i32
        %while3A_248 = arith.muli %while3A_247, %while3A_246 : i32
        %while3A_249 = arith.addi %while3A_243, %while3A_248 : i32
        %while3A_250 = arith.constant 1 : i32
        %while3A_251:2 = scf.for %while3A_441 = %while3A_243 to %while3A_249 step %while3A_250 iter_args(%while3A_442 = %broadcast_in_dim3A_1, %while3A_443 = %broadcast_in_dim3A_1) -> (vector<16xi32>, vector<16xi32>)  : i32 {
          %mul3A_444 = arith.constant 16 : i32
          %mul3A_445 = arith.muli %while3A_441, %mul3A_444 : i32
          %add3A_446 = arith.addi %scan3A_228, %mul3A_445 : i32
          %get3A = arith.index_cast %add3A_446 : i32 to index
          %get3A_447 = tpu.vector_load %arg8[%get3A] {strides = array<i32>} : memref<16400xi32, #tpu.memory_space<vmem>>, vector<16xi32>,
          %mul3A_448 = arith.constant 16 : i32
          %mul3A_449 = arith.muli %while3A_441, %mul3A_448 : i32
          %add3A_450 = arith.addi %scan3A_228, %mul3A_449 : i32
          %get3A_451 = arith.index_cast %add3A_450 : i32 to index
          %get3A_452 = tpu.vector_load %arg9[%get3A_451] {strides = array<i32>} : memref<16400xi32, #tpu.memory_space<vmem>>, vector<16xi32>,
          %mul3A_453 = arith.constant 16 : i32
          %mul3A_454 = arith.muli %while3A_441, %mul3A_453 : i32
          %add3A_455 = vector.broadcast %mul3A_454 : i32 to vector<16xi32>
          %add3A_456 = arith.addi %add3A_455, %iota3A : vector<16xi32>
          %lt3A = vector.broadcast %scan3A_226 : i32 to vector<16xi32>
          %lt3A_457 = arith.cmpi slt, %add3A_456, %lt3A : vector<16xi32>
          %broadcast_in_dim3A_458 = vector.broadcast %sub3A_234 : i32 to vector<16xi32>
          %shift_right_logical3A = arith.shrui %get3A_447, %broadcast_in_dim3A_458 : vector<16xi32>
          %and3A_459 = arith.constant 1 : i32
          %and3A_460 = vector.broadcast %and3A_459 : i32 to vector<16xi32>
          %and3A_461 = arith.andi %shift_right_logical3A, %and3A_460 : vector<16xi32>
          %eq3A_462 = arith.constant 1 : i32
          %eq3A_463 = vector.broadcast %eq3A_462 : i32 to vector<16xi32>
          %eq3A_464 = arith.cmpi eq, %and3A_461, %eq3A_463 : vector<16xi32>
          %and3A_465 = arith.andi %eq3A_464, %lt3A_457 : vector<16xi1>
          %eq3A_466 = arith.constant 0 : i32
          %eq3A_467 = vector.broadcast %eq3A_466 : i32 to vector<16xi32>
          %eq3A_468 = arith.cmpi eq, %and3A_461, %eq3A_467 : vector<16xi32>
          %and3A_469 = arith.andi %eq3A_468, %lt3A_457 : vector<16xi1>
          %convert_element_type3A = arith.extui %and3A_465 : vector<16xi1> to vector<16xi32>
          %broadcast_in_dim3A_470 = arith.constant true
          %broadcast_in_dim3A_471 = vector.broadcast %broadcast_in_dim3A_470 : i1 to vector<16xi1>
          %masked_cumsum3A = tpu.scan <sum>, %convert_element_type3A masked %broadcast_in_dim3A_471 : vector<16xi32>, vector<16xi1> -> vector<16xi32>
          %convert_element_type3A_472 = arith.extui %and3A_469 : vector<16xi1> to vector<16xi32>
          %broadcast_in_dim3A_473 = arith.constant true
          %broadcast_in_dim3A_474 = vector.broadcast %broadcast_in_dim3A_473 : i1 to vector<16xi1>
          %masked_cumsum3A_475 = tpu.scan <sum>, %convert_element_type3A_472 masked %broadcast_in_dim3A_474 : vector<16xi32>, vector<16xi1> -> vector<16xi32>
          %add3A_476 = arith.addi %while3A_442, %masked_cumsum3A : vector<16xi32>
          %sub3A_477 = arith.constant 1 : i32
          %sub3A_478 = vector.broadcast %sub3A_477 : i32 to vector<16xi32>
          %sub3A_479 = arith.subi %add3A_476, %sub3A_478 : vector<16xi32>
          tpu.vector_store_idx %arg6[%sub3A_479], %get3A_447 masked %and3A_465 : memref<16400xi32, #tpu.memory_space<vmem>>[vector<16xi32>], vector<16xi32>, vector<16xi1>
          %add3A_480 = arith.addi %while3A_442, %masked_cumsum3A : vector<16xi32>
          %sub3A_481 = arith.constant 1 : i32
          %sub3A_482 = vector.broadcast %sub3A_481 : i32 to vector<16xi32>
          %sub3A_483 = arith.subi %add3A_480, %sub3A_482 : vector<16xi32>
          tpu.vector_store_idx %arg7[%sub3A_483], %get3A_452 masked %and3A_465 : memref<16400xi32, #tpu.memory_space<vmem>>[vector<16xi32>], vector<16xi32>, vector<16xi1>
          %add3A_484 = arith.addi %while3A_443, %masked_cumsum3A_475 : vector<16xi32>
          %sub3A_485 = arith.constant 1 : i32
          %sub3A_486 = vector.broadcast %sub3A_485 : i32 to vector<16xi32>
          %sub3A_487 = arith.subi %add3A_484, %sub3A_486 : vector<16xi32>
          %add3A_488 = arith.constant 8192 : i32
          %add3A_489 = vector.broadcast %add3A_488 : i32 to vector<16xi32>
          %add3A_490 = arith.addi %add3A_489, %sub3A_487 : vector<16xi32>
          tpu.vector_store_idx %arg6[%add3A_490], %get3A_447 masked %and3A_469 : memref<16400xi32, #tpu.memory_space<vmem>>[vector<16xi32>], vector<16xi32>, vector<16xi1>
          %add3A_491 = arith.addi %while3A_443, %masked_cumsum3A_475 : vector<16xi32>
          %sub3A_492 = arith.constant 1 : i32
          %sub3A_493 = vector.broadcast %sub3A_492 : i32 to vector<16xi32>
          %sub3A_494 = arith.subi %add3A_491, %sub3A_493 : vector<16xi32>
          %add3A_495 = arith.constant 8192 : i32
          %add3A_496 = vector.broadcast %add3A_495 : i32 to vector<16xi32>
          %add3A_497 = arith.addi %add3A_496, %sub3A_494 : vector<16xi32>
          tpu.vector_store_idx %arg7[%add3A_497], %get3A_452 masked %and3A_469 : memref<16400xi32, #tpu.memory_space<vmem>>[vector<16xi32>], vector<16xi32>, vector<16xi1>
          %all_reduce_population_count3A = tpu.all_reduce %and3A_465 {dim = 0 : i64, kind = #tpu.reduction_kind<sum>} : vector<16xi1> -> vector<16xi32>
          %add3A_498 = arith.addi %while3A_442, %all_reduce_population_count3A : vector<16xi32>
          %all_reduce_population_count3A_499 = tpu.all_reduce %and3A_469 {dim = 0 : i64, kind = #tpu.reduction_kind<sum>} : vector<16xi1> -> vector<16xi32>
          %add3A_500 = arith.addi %while3A_443, %all_reduce_population_count3A_499 : vector<16xi32>
          scf.yield %add3A_498, %add3A_500 : vector<16xi32>, vector<16xi32>
        }
        %while3A_252 = arith.constant 1 : i32
        %while3A_253:2 = scf.for %while3A_441 = %while3A_249 to %while3A_245 step %while3A_252 iter_args(%while3A_442 = %while3A_251#0, %while3A_443 = %while3A_251#1) -> (vector<16xi32>, vector<16xi32>)  : i32 {
          %mul3A_444 = arith.constant 16 : i32
          %mul3A_445 = arith.muli %while3A_441, %mul3A_444 : i32
          %add3A_446 = arith.addi %scan3A_228, %mul3A_445 : i32
          %get3A = arith.index_cast %add3A_446 : i32 to index
          %get3A_447 = tpu.vector_load %arg8[%get3A] {strides = array<i32>} : memref<16400xi32, #tpu.memory_space<vmem>>, vector<16xi32>,
          %mul3A_448 = arith.constant 16 : i32
          %mul3A_449 = arith.muli %while3A_441, %mul3A_448 : i32
          %add3A_450 = arith.addi %scan3A_228, %mul3A_449 : i32
          %get3A_451 = arith.index_cast %add3A_450 : i32 to index
          %get3A_452 = tpu.vector_load %arg9[%get3A_451] {strides = array<i32>} : memref<16400xi32, #tpu.memory_space<vmem>>, vector<16xi32>,
          %mul3A_453 = arith.constant 16 : i32
          %mul3A_454 = arith.muli %while3A_441, %mul3A_453 : i32
          %add3A_455 = vector.broadcast %mul3A_454 : i32 to vector<16xi32>
          %add3A_456 = arith.addi %add3A_455, %iota3A : vector<16xi32>
          %lt3A = vector.broadcast %scan3A_226 : i32 to vector<16xi32>
          %lt3A_457 = arith.cmpi slt, %add3A_456, %lt3A : vector<16xi32>
          %broadcast_in_dim3A_458 = vector.broadcast %sub3A_234 : i32 to vector<16xi32>
          %shift_right_logical3A = arith.shrui %get3A_447, %broadcast_in_dim3A_458 : vector<16xi32>
          %and3A_459 = arith.constant 1 : i32
          %and3A_460 = vector.broadcast %and3A_459 : i32 to vector<16xi32>
          %and3A_461 = arith.andi %shift_right_logical3A, %and3A_460 : vector<16xi32>
          %eq3A_462 = arith.constant 1 : i32
          %eq3A_463 = vector.broadcast %eq3A_462 : i32 to vector<16xi32>
          %eq3A_464 = arith.cmpi eq, %and3A_461, %eq3A_463 : vector<16xi32>
          %and3A_465 = arith.andi %eq3A_464, %lt3A_457 : vector<16xi1>
          %eq3A_466 = arith.constant 0 : i32
          %eq3A_467 = vector.broadcast %eq3A_466 : i32 to vector<16xi32>
          %eq3A_468 = arith.cmpi eq, %and3A_461, %eq3A_467 : vector<16xi32>
          %and3A_469 = arith.andi %eq3A_468, %lt3A_457 : vector<16xi1>
          %convert_element_type3A = arith.extui %and3A_465 : vector<16xi1> to vector<16xi32>
          %broadcast_in_dim3A_470 = arith.constant true
          %broadcast_in_dim3A_471 = vector.broadcast %broadcast_in_dim3A_470 : i1 to vector<16xi1>
          %masked_cumsum3A = tpu.scan <sum>, %convert_element_type3A masked %broadcast_in_dim3A_471 : vector<16xi32>, vector<16xi1> -> vector<16xi32>
          %convert_element_type3A_472 = arith.extui %and3A_469 : vector<16xi1> to vector<16xi32>
          %broadcast_in_dim3A_473 = arith.constant true
          %broadcast_in_dim3A_474 = vector.broadcast %broadcast_in_dim3A_473 : i1 to vector<16xi1>
          %masked_cumsum3A_475 = tpu.scan <sum>, %convert_element_type3A_472 masked %broadcast_in_dim3A_474 : vector<16xi32>, vector<16xi1> -> vector<16xi32>
          %add3A_476 = arith.addi %while3A_442, %masked_cumsum3A : vector<16xi32>
          %sub3A_477 = arith.constant 1 : i32
          %sub3A_478 = vector.broadcast %sub3A_477 : i32 to vector<16xi32>
          %sub3A_479 = arith.subi %add3A_476, %sub3A_478 : vector<16xi32>
          tpu.vector_store_idx %arg6[%sub3A_479], %get3A_447 masked %and3A_465 : memref<16400xi32, #tpu.memory_space<vmem>>[vector<16xi32>], vector<16xi32>, vector<16xi1>
          %add3A_480 = arith.addi %while3A_442, %masked_cumsum3A : vector<16xi32>
          %sub3A_481 = arith.constant 1 : i32
          %sub3A_482 = vector.broadcast %sub3A_481 : i32 to vector<16xi32>
          %sub3A_483 = arith.subi %add3A_480, %sub3A_482 : vector<16xi32>
          tpu.vector_store_idx %arg7[%sub3A_483], %get3A_452 masked %and3A_465 : memref<16400xi32, #tpu.memory_space<vmem>>[vector<16xi32>], vector<16xi32>, vector<16xi1>
          %add3A_484 = arith.addi %while3A_443, %masked_cumsum3A_475 : vector<16xi32>
          %sub3A_485 = arith.constant 1 : i32
          %sub3A_486 = vector.broadcast %sub3A_485 : i32 to vector<16xi32>
          %sub3A_487 = arith.subi %add3A_484, %sub3A_486 : vector<16xi32>
          %add3A_488 = arith.constant 8192 : i32
          %add3A_489 = vector.broadcast %add3A_488 : i32 to vector<16xi32>
          %add3A_490 = arith.addi %add3A_489, %sub3A_487 : vector<16xi32>
          tpu.vector_store_idx %arg6[%add3A_490], %get3A_447 masked %and3A_469 : memref<16400xi32, #tpu.memory_space<vmem>>[vector<16xi32>], vector<16xi32>, vector<16xi1>
          %add3A_491 = arith.addi %while3A_443, %masked_cumsum3A_475 : vector<16xi32>
          %sub3A_492 = arith.constant 1 : i32
          %sub3A_493 = vector.broadcast %sub3A_492 : i32 to vector<16xi32>
          %sub3A_494 = arith.subi %add3A_491, %sub3A_493 : vector<16xi32>
          %add3A_495 = arith.constant 8192 : i32
          %add3A_496 = vector.broadcast %add3A_495 : i32 to vector<16xi32>
          %add3A_497 = arith.addi %add3A_496, %sub3A_494 : vector<16xi32>
          tpu.vector_store_idx %arg7[%add3A_497], %get3A_452 masked %and3A_469 : memref<16400xi32, #tpu.memory_space<vmem>>[vector<16xi32>], vector<16xi32>, vector<16xi1>
          %all_reduce_population_count3A = tpu.all_reduce %and3A_465 {dim = 0 : i64, kind = #tpu.reduction_kind<sum>} : vector<16xi1> -> vector<16xi32>
          %add3A_498 = arith.addi %while3A_442, %all_reduce_population_count3A : vector<16xi32>
          %all_reduce_population_count3A_499 = tpu.all_reduce %and3A_469 {dim = 0 : i64, kind = #tpu.reduction_kind<sum>} : vector<16xi1> -> vector<16xi32>
          %add3A_500 = arith.addi %while3A_443, %all_reduce_population_count3A_499 : vector<16xi32>
          scf.yield %add3A_498, %add3A_500 : vector<16xi32>, vector<16xi32>
        }
        %reduce_max3A_254 = arith.constant true
        %reduce_max3A_255 = vector.broadcast %reduce_max3A_254 : i1 to vector<16xi1>
        %reduce_max3A_256 = arith.constant -2147483648 : i32
        %reduce_max3A_257 = vector.broadcast %reduce_max3A_256 : i32 to vector<16xi32>
        %reduce_max3A_258 = arith.xori %while3A_253#0, %reduce_max3A_257 : vector<16xi32>
        %reduce_max3A_259 = tpu.scan <max>, %reduce_max3A_258 masked %reduce_max3A_255 : vector<16xi32>, vector<16xi1> -> vector<16xi32>
        %reduce_max3A_260 = arith.xori %reduce_max3A_259, %reduce_max3A_257 : vector<16xi32>
        %reduce_max3A_261 = vector.extract %reduce_max3A_260[15] : i32 from vector<16xi32>
        %reduce_max3A_262 = arith.constant true
        %reduce_max3A_263 = vector.broadcast %reduce_max3A_262 : i1 to vector<16xi1>
        %reduce_max3A_264 = arith.constant -2147483648 : i32
        %reduce_max3A_265 = vector.broadcast %reduce_max3A_264 : i32 to vector<16xi32>
        %reduce_max3A_266 = arith.xori %while3A_253#1, %reduce_max3A_265 : vector<16xi32>
        %reduce_max3A_267 = tpu.scan <max>, %reduce_max3A_266 masked %reduce_max3A_263 : vector<16xi32>, vector<16xi1> -> vector<16xi32>
        %reduce_max3A_268 = arith.xori %reduce_max3A_267, %reduce_max3A_265 : vector<16xi32>
        %reduce_max3A_269 = vector.extract %reduce_max3A_268[15] : i32 from vector<16xi32>
        %ge3A_270 = arith.cmpi sge, %reduce_max3A_261, %scan3A_227 : i32
        %not3A_271 = arith.constant true
        %not3A_272 = arith.xori %scan3A_230, %not3A_271 : i1
        %not3A_273 = arith.constant true
        %not3A_274 = arith.xori %ge3A_270, %not3A_273 : i1
        %and3A_275 = arith.andi %not3A_272, %not3A_274 : i1
        %jit3A_276 = arith.constant 0 : i32
        %select_n3A_277 = arith.select %and3A_275, %reduce_max3A_261, %jit3A_276 : i32
        %add3A_278 = arith.constant 16 : i32
        %add3A_279 = arith.addi %select_n3A_277, %add3A_278 : i32
        %sub3A_280 = arith.constant 1 : i32
        %sub3A_281 = arith.subi %add3A_279, %sub3A_280 : i32
        %shift_right_arithmetic3A_282 = arith.constant 4 : i32
        %shift_right_arithmetic3A_283 = arith.shrsi %sub3A_281, %shift_right_arithmetic3A_282 : i32
        %while3A_284 = arith.constant 0 : i32
        %while3A_285 = arith.constant 0 : i32
        %while3A_286 = arith.constant 0 : i32
        %while3A_287 = arith.subi %shift_right_arithmetic3A_283, %while3A_285 : i32
        %while3A_288 = arith.addi %while3A_285, %while3A_287 : i32
        %while3A_289 = arith.constant 1 : i32
        %while3A_290 = arith.divsi %while3A_287, %while3A_289 : i32
        %while3A_291 = arith.muli %while3A_290, %while3A_289 : i32
        %while3A_292 = arith.addi %while3A_285, %while3A_291 : i32
        %while3A_293 = arith.constant 1 : i32
        %while3A_294 = scf.for %while3A_441 = %while3A_285 to %while3A_292 step %while3A_293 iter_args(%while3A_442 = %while3A_286) -> (i32)  : i32 {
          %mul3A_443 = arith.constant 16 : i32
          %mul3A_444 = arith.muli %while3A_441, %mul3A_443 : i32
          %add3A_445 = arith.addi %while3A_284, %mul3A_444 : i32
          %get3A = arith.index_cast %add3A_445 : i32 to index
          %get3A_446 = tpu.vector_load %arg6[%get3A] {strides = array<i32>} : memref<16400xi32, #tpu.memory_space<vmem>>, vector<16xi32>,
          %mul3A_447 = arith.constant 16 : i32
          %mul3A_448 = arith.muli %while3A_441, %mul3A_447 : i32
          %add3A_449 = arith.addi %while3A_284, %mul3A_448 : i32
          %get3A_450 = arith.index_cast %add3A_449 : i32 to index
          %get3A_451 = tpu.vector_load %arg7[%get3A_450] {strides = array<i32>} : memref<16400xi32, #tpu.memory_space<vmem>>, vector<16xi32>,
          %mul3A_452 = arith.constant 16 : i32
          %mul3A_453 = arith.muli %while3A_441, %mul3A_452 : i32
          %add3A_454 = vector.broadcast %mul3A_453 : i32 to vector<16xi32>
          %add3A_455 = arith.addi %add3A_454, %iota3A : vector<16xi32>
          %lt3A = vector.broadcast %select_n3A_277 : i32 to vector<16xi32>
          %lt3A_456 = arith.cmpi slt, %add3A_455, %lt3A : vector<16xi32>
          %add3A_457 = arith.addi %scan3A_229, %add3A_455 : vector<16xi32>
          tpu.vector_store_idx %arg10[%add3A_457], %get3A_446 masked %lt3A_456 : memref<128xi32, #tpu.memory_space<vmem>>[vector<16xi32>], vector<16xi32>, vector<16xi1>
          tpu.vector_store_idx %arg11[%add3A_457], %get3A_451 masked %lt3A_456 : memref<128xi32, #tpu.memory_space<vmem>>[vector<16xi32>], vector<16xi32>, vector<16xi1>
          %while3A_458 = arith.constant 0 : i32
          scf.yield %while3A_458 : i32
        }
        %while3A_295 = arith.constant 1 : i32
        %while3A_296 = scf.for %while3A_441 = %while3A_292 to %while3A_288 step %while3A_295 iter_args(%while3A_442 = %while3A_294) -> (i32)  : i32 {
          %mul3A_443 = arith.constant 16 : i32
          %mul3A_444 = arith.muli %while3A_441, %mul3A_443 : i32
          %add3A_445 = arith.addi %while3A_284, %mul3A_444 : i32
          %get3A = arith.index_cast %add3A_445 : i32 to index
          %get3A_446 = tpu.vector_load %arg6[%get3A] {strides = array<i32>} : memref<16400xi32, #tpu.memory_space<vmem>>, vector<16xi32>,
          %mul3A_447 = arith.constant 16 : i32
          %mul3A_448 = arith.muli %while3A_441, %mul3A_447 : i32
          %add3A_449 = arith.addi %while3A_284, %mul3A_448 : i32
          %get3A_450 = arith.index_cast %add3A_449 : i32 to index
          %get3A_451 = tpu.vector_load %arg7[%get3A_450] {strides = array<i32>} : memref<16400xi32, #tpu.memory_space<vmem>>, vector<16xi32>,
          %mul3A_452 = arith.constant 16 : i32
          %mul3A_453 = arith.muli %while3A_441, %mul3A_452 : i32
          %add3A_454 = vector.broadcast %mul3A_453 : i32 to vector<16xi32>
          %add3A_455 = arith.addi %add3A_454, %iota3A : vector<16xi32>
          %lt3A = vector.broadcast %select_n3A_277 : i32 to vector<16xi32>
          %lt3A_456 = arith.cmpi slt, %add3A_455, %lt3A : vector<16xi32>
          %add3A_457 = arith.addi %scan3A_229, %add3A_455 : vector<16xi32>
          tpu.vector_store_idx %arg10[%add3A_457], %get3A_446 masked %lt3A_456 : memref<128xi32, #tpu.memory_space<vmem>>[vector<16xi32>], vector<16xi32>, vector<16xi1>
          tpu.vector_store_idx %arg11[%add3A_457], %get3A_451 masked %lt3A_456 : memref<128xi32, #tpu.memory_space<vmem>>[vector<16xi32>], vector<16xi32>, vector<16xi1>
          %while3A_458 = arith.constant 0 : i32
          scf.yield %while3A_458 : i32
        }
        %add3A_297 = vector.broadcast %select_n3A_277 : i32 to vector<16xi32>
        %add3A_298 = arith.addi %scan3A_229, %add3A_297 : vector<16xi32>
        %select_n3A_299 = arith.select %ge3A_270, %reduce_max3A_261, %reduce_max3A_269 : i32
        %sub3A_300 = arith.subi %scan3A_227, %reduce_max3A_261 : i32
        %select_n3A_301 = arith.select %ge3A_270, %scan3A_227, %sub3A_300 : i32
        %jit3A_302 = arith.constant 0 : i32
        %jit3A_303 = arith.constant 8192 : i32
        %select_n3A_304 = arith.select %ge3A_270, %jit3A_302, %jit3A_303 : i32
        %select_n3A_305 = arith.select %scan3A_230, %scan3A_226, %select_n3A_299 : i32
        %select_n3A_306 = arith.select %scan3A_230, %scan3A_227, %select_n3A_301 : i32
        %select_n3A_307 = arith.select %scan3A_230, %scan3A_228, %select_n3A_304 : i32
        %not3A_308 = arith.constant true
        %not3A_309 = arith.xori %scan3A_230, %not3A_308 : i1
        %eq3A_310 = arith.cmpi eq, %select_n3A_305, %select_n3A_306 : i32
        %or3A_311 = arith.constant false
        %or3A_312 = arith.ori %eq3A_310, %or3A_311 : i1
        %and3A_313 = arith.andi %not3A_309, %or3A_312 : i1
        %jit3A_314 = arith.constant 0 : i32
        %select_n3A_315 = arith.select %and3A_313, %select_n3A_306, %jit3A_314 : i32
        %add3A_316 = arith.constant 16 : i32
        %add3A_317 = arith.addi %select_n3A_315, %add3A_316 : i32
        %sub3A_318 = arith.constant 1 : i32
        %sub3A_319 = arith.subi %add3A_317, %sub3A_318 : i32
        %shift_right_arithmetic3A_320 = arith.constant 4 : i32
        %shift_right_arithmetic3A_321 = arith.shrsi %sub3A_319, %shift_right_arithmetic3A_320 : i32
        %while3A_322 = arith.constant 0 : i32
        %while3A_323 = arith.constant 0 : i32
        %while3A_324 = arith.subi %shift_right_arithmetic3A_321, %while3A_322 : i32
        %while3A_325 = arith.addi %while3A_322, %while3A_324 : i32
        %while3A_326 = arith.constant 1 : i32
        %while3A_327 = arith.divsi %while3A_324, %while3A_326 : i32
        %while3A_328 = arith.muli %while3A_327, %while3A_326 : i32
        %while3A_329 = arith.addi %while3A_322, %while3A_328 : i32
        %while3A_330 = arith.constant 1 : i32
        %while3A_331 = scf.for %while3A_441 = %while3A_322 to %while3A_329 step %while3A_330 iter_args(%while3A_442 = %while3A_323) -> (i32)  : i32 {
          %mul3A_443 = arith.constant 16 : i32
          %mul3A_444 = arith.muli %while3A_441, %mul3A_443 : i32
          %add3A_445 = arith.addi %select_n3A_307, %mul3A_444 : i32
          %get3A = arith.index_cast %add3A_445 : i32 to index
          %get3A_446 = tpu.vector_load %arg6[%get3A] {strides = array<i32>} : memref<16400xi32, #tpu.memory_space<vmem>>, vector<16xi32>,
          %mul3A_447 = arith.constant 16 : i32
          %mul3A_448 = arith.muli %while3A_441, %mul3A_447 : i32
          %add3A_449 = arith.addi %select_n3A_307, %mul3A_448 : i32
          %get3A_450 = arith.index_cast %add3A_449 : i32 to index
          %get3A_451 = tpu.vector_load %arg7[%get3A_450] {strides = array<i32>} : memref<16400xi32, #tpu.memory_space<vmem>>, vector<16xi32>,
          %mul3A_452 = arith.constant 16 : i32
          %mul3A_453 = arith.muli %while3A_441, %mul3A_452 : i32
          %add3A_454 = vector.broadcast %mul3A_453 : i32 to vector<16xi32>
          %add3A_455 = arith.addi %add3A_454, %iota3A : vector<16xi32>
          %lt3A = vector.broadcast %select_n3A_315 : i32 to vector<16xi32>
          %lt3A_456 = arith.cmpi slt, %add3A_455, %lt3A : vector<16xi32>
          %add3A_457 = arith.addi %add3A_298, %add3A_455 : vector<16xi32>
          tpu.vector_store_idx %arg10[%add3A_457], %get3A_446 masked %lt3A_456 : memref<128xi32, #tpu.memory_space<vmem>>[vector<16xi32>], vector<16xi32>, vector<16xi1>
          tpu.vector_store_idx %arg11[%add3A_457], %get3A_451 masked %lt3A_456 : memref<128xi32, #tpu.memory_space<vmem>>[vector<16xi32>], vector<16xi32>, vector<16xi1>
          %while3A_458 = arith.constant 0 : i32
          scf.yield %while3A_458 : i32
        }
        %while3A_332 = arith.constant 1 : i32
        %while3A_333 = scf.for %while3A_441 = %while3A_329 to %while3A_325 step %while3A_332 iter_args(%while3A_442 = %while3A_331) -> (i32)  : i32 {
          %mul3A_443 = arith.constant 16 : i32
          %mul3A_444 = arith.muli %while3A_441, %mul3A_443 : i32
          %add3A_445 = arith.addi %select_n3A_307, %mul3A_444 : i32
          %get3A = arith.index_cast %add3A_445 : i32 to index
          %get3A_446 = tpu.vector_load %arg6[%get3A] {strides = array<i32>} : memref<16400xi32, #tpu.memory_space<vmem>>, vector<16xi32>,
          %mul3A_447 = arith.constant 16 : i32
          %mul3A_448 = arith.muli %while3A_441, %mul3A_447 : i32
          %add3A_449 = arith.addi %select_n3A_307, %mul3A_448 : i32
          %get3A_450 = arith.index_cast %add3A_449 : i32 to index
          %get3A_451 = tpu.vector_load %arg7[%get3A_450] {strides = array<i32>} : memref<16400xi32, #tpu.memory_space<vmem>>, vector<16xi32>,
          %mul3A_452 = arith.constant 16 : i32
          %mul3A_453 = arith.muli %while3A_441, %mul3A_452 : i32
          %add3A_454 = vector.broadcast %mul3A_453 : i32 to vector<16xi32>
          %add3A_455 = arith.addi %add3A_454, %iota3A : vector<16xi32>
          %lt3A = vector.broadcast %select_n3A_315 : i32 to vector<16xi32>
          %lt3A_456 = arith.cmpi slt, %add3A_455, %lt3A : vector<16xi32>
          %add3A_457 = arith.addi %add3A_298, %add3A_455 : vector<16xi32>
          tpu.vector_store_idx %arg10[%add3A_457], %get3A_446 masked %lt3A_456 : memref<128xi32, #tpu.memory_space<vmem>>[vector<16xi32>], vector<16xi32>, vector<16xi1>
          tpu.vector_store_idx %arg11[%add3A_457], %get3A_451 masked %lt3A_456 : memref<128xi32, #tpu.memory_space<vmem>>[vector<16xi32>], vector<16xi32>, vector<16xi1>
          %while3A_458 = arith.constant 0 : i32
          scf.yield %while3A_458 : i32
        }
        %add3A_334 = vector.broadcast %select_n3A_315 : i32 to vector<16xi32>
        %add3A_335 = arith.addi %add3A_298, %add3A_334 : vector<16xi32>
        %or3A_336 = arith.ori %scan3A_230, %and3A_313 : i1
        %sub3A_337 = arith.constant 1 : i32
        %sub3A_338 = arith.subi %sub3A_234, %sub3A_337 : i32
        %add3A_339 = arith.constant 16 : i32
        %add3A_340 = arith.addi %select_n3A_305, %add3A_339 : i32
        %sub3A_341 = arith.constant 1 : i32
        %sub3A_342 = arith.subi %add3A_340, %sub3A_341 : i32
        %shift_right_arithmetic3A_343 = arith.constant 4 : i32
        %shift_right_arithmetic3A_344 = arith.shrsi %sub3A_342, %shift_right_arithmetic3A_343 : i32
        %jit3A_345 = arith.constant 0 : i32
        %select_n3A_346 = arith.select %or3A_336, %jit3A_345, %shift_right_arithmetic3A_344 : i32
        %while3A_347 = arith.constant 0 : i32
        %while3A_348 = arith.subi %select_n3A_346, %while3A_347 : i32
        %while3A_349 = arith.addi %while3A_347, %while3A_348 : i32
        %while3A_350 = arith.constant 1 : i32
        %while3A_351 = arith.divsi %while3A_348, %while3A_350 : i32
        %while3A_352 = arith.muli %while3A_351, %while3A_350 : i32
        %while3A_353 = arith.addi %while3A_347, %while3A_352 : i32
        %while3A_354 = arith.constant 1 : i32
        %while3A_355:2 = scf.for %while3A_441 = %while3A_347 to %while3A_353 step %while3A_354 iter_args(%while3A_442 = %broadcast_in_dim3A_1, %while3A_443 = %broadcast_in_dim3A_1) -> (vector<16xi32>, vector<16xi32>)  : i32 {
          %mul3A_444 = arith.constant 16 : i32
          %mul3A_445 = arith.muli %while3A_441, %mul3A_444 : i32
          %add3A_446 = arith.addi %select_n3A_307, %mul3A_445 : i32
          %get3A = arith.index_cast %add3A_446 : i32 to index
          %get3A_447 = tpu.vector_load %arg6[%get3A] {strides = array<i32>} : memref<16400xi32, #tpu.memory_space<vmem>>, vector<16xi32>,
          %mul3A_448 = arith.constant 16 : i32
          %mul3A_449 = arith.muli %while3A_441, %mul3A_448 : i32
          %add3A_450 = arith.addi %select_n3A_307, %mul3A_449 : i32
          %get3A_451 = arith.index_cast %add3A_450 : i32 to index
          %get3A_452 = tpu.vector_load %arg7[%get3A_451] {strides = array<i32>} : memref<16400xi32, #tpu.memory_space<vmem>>, vector<16xi32>,
          %mul3A_453 = arith.constant 16 : i32
          %mul3A_454 = arith.muli %while3A_441, %mul3A_453 : i32
          %add3A_455 = vector.broadcast %mul3A_454 : i32 to vector<16xi32>
          %add3A_456 = arith.addi %add3A_455, %iota3A : vector<16xi32>
          %lt3A = vector.broadcast %select_n3A_305 : i32 to vector<16xi32>
          %lt3A_457 = arith.cmpi slt, %add3A_456, %lt3A : vector<16xi32>
          %broadcast_in_dim3A_458 = vector.broadcast %sub3A_338 : i32 to vector<16xi32>
          %shift_right_logical3A = arith.shrui %get3A_447, %broadcast_in_dim3A_458 : vector<16xi32>
          %and3A_459 = arith.constant 1 : i32
          %and3A_460 = vector.broadcast %and3A_459 : i32 to vector<16xi32>
          %and3A_461 = arith.andi %shift_right_logical3A, %and3A_460 : vector<16xi32>
          %eq3A_462 = arith.constant 1 : i32
          %eq3A_463 = vector.broadcast %eq3A_462 : i32 to vector<16xi32>
          %eq3A_464 = arith.cmpi eq, %and3A_461, %eq3A_463 : vector<16xi32>
          %and3A_465 = arith.andi %eq3A_464, %lt3A_457 : vector<16xi1>
          %eq3A_466 = arith.constant 0 : i32
          %eq3A_467 = vector.broadcast %eq3A_466 : i32 to vector<16xi32>
          %eq3A_468 = arith.cmpi eq, %and3A_461, %eq3A_467 : vector<16xi32>
          %and3A_469 = arith.andi %eq3A_468, %lt3A_457 : vector<16xi1>
          %convert_element_type3A = arith.extui %and3A_465 : vector<16xi1> to vector<16xi32>
          %broadcast_in_dim3A_470 = arith.constant true
          %broadcast_in_dim3A_471 = vector.broadcast %broadcast_in_dim3A_470 : i1 to vector<16xi1>
          %masked_cumsum3A = tpu.scan <sum>, %convert_element_type3A masked %broadcast_in_dim3A_471 : vector<16xi32>, vector<16xi1> -> vector<16xi32>
          %convert_element_type3A_472 = arith.extui %and3A_469 : vector<16xi1> to vector<16xi32>
          %broadcast_in_dim3A_473 = arith.constant true
          %broadcast_in_dim3A_474 = vector.broadcast %broadcast_in_dim3A_473 : i1 to vector<16xi1>
          %masked_cumsum3A_475 = tpu.scan <sum>, %convert_element_type3A_472 masked %broadcast_in_dim3A_474 : vector<16xi32>, vector<16xi1> -> vector<16xi32>
          %add3A_476 = arith.addi %while3A_442, %masked_cumsum3A : vector<16xi32>
          %sub3A_477 = arith.constant 1 : i32
          %sub3A_478 = vector.broadcast %sub3A_477 : i32 to vector<16xi32>
          %sub3A_479 = arith.subi %add3A_476, %sub3A_478 : vector<16xi32>
          tpu.vector_store_idx %arg8[%sub3A_479], %get3A_447 masked %and3A_465 : memref<16400xi32, #tpu.memory_space<vmem>>[vector<16xi32>], vector<16xi32>, vector<16xi1>
          %add3A_480 = arith.addi %while3A_442, %masked_cumsum3A : vector<16xi32>
          %sub3A_481 = arith.constant 1 : i32
          %sub3A_482 = vector.broadcast %sub3A_481 : i32 to vector<16xi32>
          %sub3A_483 = arith.subi %add3A_480, %sub3A_482 : vector<16xi32>
          tpu.vector_store_idx %arg9[%sub3A_483], %get3A_452 masked %and3A_465 : memref<16400xi32, #tpu.memory_space<vmem>>[vector<16xi32>], vector<16xi32>, vector<16xi1>
          %add3A_484 = arith.addi %while3A_443, %masked_cumsum3A_475 : vector<16xi32>
          %sub3A_485 = arith.constant 1 : i32
          %sub3A_486 = vector.broadcast %sub3A_485 : i32 to vector<16xi32>
          %sub3A_487 = arith.subi %add3A_484, %sub3A_486 : vector<16xi32>
          %add3A_488 = arith.constant 8192 : i32
          %add3A_489 = vector.broadcast %add3A_488 : i32 to vector<16xi32>
          %add3A_490 = arith.addi %add3A_489, %sub3A_487 : vector<16xi32>
          tpu.vector_store_idx %arg8[%add3A_490], %get3A_447 masked %and3A_469 : memref<16400xi32, #tpu.memory_space<vmem>>[vector<16xi32>], vector<16xi32>, vector<16xi1>
          %add3A_491 = arith.addi %while3A_443, %masked_cumsum3A_475 : vector<16xi32>
          %sub3A_492 = arith.constant 1 : i32
          %sub3A_493 = vector.broadcast %sub3A_492 : i32 to vector<16xi32>
          %sub3A_494 = arith.subi %add3A_491, %sub3A_493 : vector<16xi32>
          %add3A_495 = arith.constant 8192 : i32
          %add3A_496 = vector.broadcast %add3A_495 : i32 to vector<16xi32>
          %add3A_497 = arith.addi %add3A_496, %sub3A_494 : vector<16xi32>
          tpu.vector_store_idx %arg9[%add3A_497], %get3A_452 masked %and3A_469 : memref<16400xi32, #tpu.memory_space<vmem>>[vector<16xi32>], vector<16xi32>, vector<16xi1>
          %all_reduce_population_count3A = tpu.all_reduce %and3A_465 {dim = 0 : i64, kind = #tpu.reduction_kind<sum>} : vector<16xi1> -> vector<16xi32>
          %add3A_498 = arith.addi %while3A_442, %all_reduce_population_count3A : vector<16xi32>
          %all_reduce_population_count3A_499 = tpu.all_reduce %and3A_469 {dim = 0 : i64, kind = #tpu.reduction_kind<sum>} : vector<16xi1> -> vector<16xi32>
          %add3A_500 = arith.addi %while3A_443, %all_reduce_population_count3A_499 : vector<16xi32>
          scf.yield %add3A_498, %add3A_500 : vector<16xi32>, vector<16xi32>
        }
        %while3A_356 = arith.constant 1 : i32
        %while3A_357:2 = scf.for %while3A_441 = %while3A_353 to %while3A_349 step %while3A_356 iter_args(%while3A_442 = %while3A_355#0, %while3A_443 = %while3A_355#1) -> (vector<16xi32>, vector<16xi32>)  : i32 {
          %mul3A_444 = arith.constant 16 : i32
          %mul3A_445 = arith.muli %while3A_441, %mul3A_444 : i32
          %add3A_446 = arith.addi %select_n3A_307, %mul3A_445 : i32
          %get3A = arith.index_cast %add3A_446 : i32 to index
          %get3A_447 = tpu.vector_load %arg6[%get3A] {strides = array<i32>} : memref<16400xi32, #tpu.memory_space<vmem>>, vector<16xi32>,
          %mul3A_448 = arith.constant 16 : i32
          %mul3A_449 = arith.muli %while3A_441, %mul3A_448 : i32
          %add3A_450 = arith.addi %select_n3A_307, %mul3A_449 : i32
          %get3A_451 = arith.index_cast %add3A_450 : i32 to index
          %get3A_452 = tpu.vector_load %arg7[%get3A_451] {strides = array<i32>} : memref<16400xi32, #tpu.memory_space<vmem>>, vector<16xi32>,
          %mul3A_453 = arith.constant 16 : i32
          %mul3A_454 = arith.muli %while3A_441, %mul3A_453 : i32
          %add3A_455 = vector.broadcast %mul3A_454 : i32 to vector<16xi32>
          %add3A_456 = arith.addi %add3A_455, %iota3A : vector<16xi32>
          %lt3A = vector.broadcast %select_n3A_305 : i32 to vector<16xi32>
          %lt3A_457 = arith.cmpi slt, %add3A_456, %lt3A : vector<16xi32>
          %broadcast_in_dim3A_458 = vector.broadcast %sub3A_338 : i32 to vector<16xi32>
          %shift_right_logical3A = arith.shrui %get3A_447, %broadcast_in_dim3A_458 : vector<16xi32>
          %and3A_459 = arith.constant 1 : i32
          %and3A_460 = vector.broadcast %and3A_459 : i32 to vector<16xi32>
          %and3A_461 = arith.andi %shift_right_logical3A, %and3A_460 : vector<16xi32>
          %eq3A_462 = arith.constant 1 : i32
          %eq3A_463 = vector.broadcast %eq3A_462 : i32 to vector<16xi32>
          %eq3A_464 = arith.cmpi eq, %and3A_461, %eq3A_463 : vector<16xi32>
          %and3A_465 = arith.andi %eq3A_464, %lt3A_457 : vector<16xi1>
          %eq3A_466 = arith.constant 0 : i32
          %eq3A_467 = vector.broadcast %eq3A_466 : i32 to vector<16xi32>
          %eq3A_468 = arith.cmpi eq, %and3A_461, %eq3A_467 : vector<16xi32>
          %and3A_469 = arith.andi %eq3A_468, %lt3A_457 : vector<16xi1>
          %convert_element_type3A = arith.extui %and3A_465 : vector<16xi1> to vector<16xi32>
          %broadcast_in_dim3A_470 = arith.constant true
          %broadcast_in_dim3A_471 = vector.broadcast %broadcast_in_dim3A_470 : i1 to vector<16xi1>
          %masked_cumsum3A = tpu.scan <sum>, %convert_element_type3A masked %broadcast_in_dim3A_471 : vector<16xi32>, vector<16xi1> -> vector<16xi32>
          %convert_element_type3A_472 = arith.extui %and3A_469 : vector<16xi1> to vector<16xi32>
          %broadcast_in_dim3A_473 = arith.constant true
          %broadcast_in_dim3A_474 = vector.broadcast %broadcast_in_dim3A_473 : i1 to vector<16xi1>
          %masked_cumsum3A_475 = tpu.scan <sum>, %convert_element_type3A_472 masked %broadcast_in_dim3A_474 : vector<16xi32>, vector<16xi1> -> vector<16xi32>
          %add3A_476 = arith.addi %while3A_442, %masked_cumsum3A : vector<16xi32>
          %sub3A_477 = arith.constant 1 : i32
          %sub3A_478 = vector.broadcast %sub3A_477 : i32 to vector<16xi32>
          %sub3A_479 = arith.subi %add3A_476, %sub3A_478 : vector<16xi32>
          tpu.vector_store_idx %arg8[%sub3A_479], %get3A_447 masked %and3A_465 : memref<16400xi32, #tpu.memory_space<vmem>>[vector<16xi32>], vector<16xi32>, vector<16xi1>
          %add3A_480 = arith.addi %while3A_442, %masked_cumsum3A : vector<16xi32>
          %sub3A_481 = arith.constant 1 : i32
          %sub3A_482 = vector.broadcast %sub3A_481 : i32 to vector<16xi32>
          %sub3A_483 = arith.subi %add3A_480, %sub3A_482 : vector<16xi32>
          tpu.vector_store_idx %arg9[%sub3A_483], %get3A_452 masked %and3A_465 : memref<16400xi32, #tpu.memory_space<vmem>>[vector<16xi32>], vector<16xi32>, vector<16xi1>
          %add3A_484 = arith.addi %while3A_443, %masked_cumsum3A_475 : vector<16xi32>
          %sub3A_485 = arith.constant 1 : i32
          %sub3A_486 = vector.broadcast %sub3A_485 : i32 to vector<16xi32>
          %sub3A_487 = arith.subi %add3A_484, %sub3A_486 : vector<16xi32>
          %add3A_488 = arith.constant 8192 : i32
          %add3A_489 = vector.broadcast %add3A_488 : i32 to vector<16xi32>
          %add3A_490 = arith.addi %add3A_489, %sub3A_487 : vector<16xi32>
          tpu.vector_store_idx %arg8[%add3A_490], %get3A_447 masked %and3A_469 : memref<16400xi32, #tpu.memory_space<vmem>>[vector<16xi32>], vector<16xi32>, vector<16xi1>
          %add3A_491 = arith.addi %while3A_443, %masked_cumsum3A_475 : vector<16xi32>
          %sub3A_492 = arith.constant 1 : i32
          %sub3A_493 = vector.broadcast %sub3A_492 : i32 to vector<16xi32>
          %sub3A_494 = arith.subi %add3A_491, %sub3A_493 : vector<16xi32>
          %add3A_495 = arith.constant 8192 : i32
          %add3A_496 = vector.broadcast %add3A_495 : i32 to vector<16xi32>
          %add3A_497 = arith.addi %add3A_496, %sub3A_494 : vector<16xi32>
          tpu.vector_store_idx %arg9[%add3A_497], %get3A_452 masked %and3A_469 : memref<16400xi32, #tpu.memory_space<vmem>>[vector<16xi32>], vector<16xi32>, vector<16xi1>
          %all_reduce_population_count3A = tpu.all_reduce %and3A_465 {dim = 0 : i64, kind = #tpu.reduction_kind<sum>} : vector<16xi1> -> vector<16xi32>
          %add3A_498 = arith.addi %while3A_442, %all_reduce_population_count3A : vector<16xi32>
          %all_reduce_population_count3A_499 = tpu.all_reduce %and3A_469 {dim = 0 : i64, kind = #tpu.reduction_kind<sum>} : vector<16xi1> -> vector<16xi32>
          %add3A_500 = arith.addi %while3A_443, %all_reduce_population_count3A_499 : vector<16xi32>
          scf.yield %add3A_498, %add3A_500 : vector<16xi32>, vector<16xi32>
        }
        %reduce_max3A_358 = arith.constant true
        %reduce_max3A_359 = vector.broadcast %reduce_max3A_358 : i1 to vector<16xi1>
        %reduce_max3A_360 = arith.constant -2147483648 : i32
        %reduce_max3A_361 = vector.broadcast %reduce_max3A_360 : i32 to vector<16xi32>
        %reduce_max3A_362 = arith.xori %while3A_357#0, %reduce_max3A_361 : vector<16xi32>
        %reduce_max3A_363 = tpu.scan <max>, %reduce_max3A_362 masked %reduce_max3A_359 : vector<16xi32>, vector<16xi1> -> vector<16xi32>
        %reduce_max3A_364 = arith.xori %reduce_max3A_363, %reduce_max3A_361 : vector<16xi32>
        %reduce_max3A_365 = vector.extract %reduce_max3A_364[15] : i32 from vector<16xi32>
        %reduce_max3A_366 = arith.constant true
        %reduce_max3A_367 = vector.broadcast %reduce_max3A_366 : i1 to vector<16xi1>
        %reduce_max3A_368 = arith.constant -2147483648 : i32
        %reduce_max3A_369 = vector.broadcast %reduce_max3A_368 : i32 to vector<16xi32>
        %reduce_max3A_370 = arith.xori %while3A_357#1, %reduce_max3A_369 : vector<16xi32>
        %reduce_max3A_371 = tpu.scan <max>, %reduce_max3A_370 masked %reduce_max3A_367 : vector<16xi32>, vector<16xi1> -> vector<16xi32>
        %reduce_max3A_372 = arith.xori %reduce_max3A_371, %reduce_max3A_369 : vector<16xi32>
        %reduce_max3A_373 = vector.extract %reduce_max3A_372[15] : i32 from vector<16xi32>
        %ge3A_374 = arith.cmpi sge, %reduce_max3A_365, %select_n3A_306 : i32
        %not3A_375 = arith.constant true
        %not3A_376 = arith.xori %or3A_336, %not3A_375 : i1
        %not3A_377 = arith.constant true
        %not3A_378 = arith.xori %ge3A_374, %not3A_377 : i1
        %and3A_379 = arith.andi %not3A_376, %not3A_378 : i1
        %jit3A_380 = arith.constant 0 : i32
        %select_n3A_381 = arith.select %and3A_379, %reduce_max3A_365, %jit3A_380 : i32
        %add3A_382 = arith.constant 16 : i32
        %add3A_383 = arith.addi %select_n3A_381, %add3A_382 : i32
        %sub3A_384 = arith.constant 1 : i32
        %sub3A_385 = arith.subi %add3A_383, %sub3A_384 : i32
        %shift_right_arithmetic3A_386 = arith.constant 4 : i32
        %shift_right_arithmetic3A_387 = arith.shrsi %sub3A_385, %shift_right_arithmetic3A_386 : i32
        %while3A_388 = arith.constant 0 : i32
        %while3A_389 = arith.constant 0 : i32
        %while3A_390 = arith.constant 0 : i32
        %while3A_391 = arith.subi %shift_right_arithmetic3A_387, %while3A_389 : i32
        %while3A_392 = arith.addi %while3A_389, %while3A_391 : i32
        %while3A_393 = arith.constant 1 : i32
        %while3A_394 = arith.divsi %while3A_391, %while3A_393 : i32
        %while3A_395 = arith.muli %while3A_394, %while3A_393 : i32
        %while3A_396 = arith.addi %while3A_389, %while3A_395 : i32
        %while3A_397 = arith.constant 1 : i32
        %while3A_398 = scf.for %while3A_441 = %while3A_389 to %while3A_396 step %while3A_397 iter_args(%while3A_442 = %while3A_390) -> (i32)  : i32 {
          %mul3A_443 = arith.constant 16 : i32
          %mul3A_444 = arith.muli %while3A_441, %mul3A_443 : i32
          %add3A_445 = arith.addi %while3A_388, %mul3A_444 : i32
          %get3A = arith.index_cast %add3A_445 : i32 to index
          %get3A_446 = tpu.vector_load %arg8[%get3A] {strides = array<i32>} : memref<16400xi32, #tpu.memory_space<vmem>>, vector<16xi32>,
          %mul3A_447 = arith.constant 16 : i32
          %mul3A_448 = arith.muli %while3A_441, %mul3A_447 : i32
          %add3A_449 = arith.addi %while3A_388, %mul3A_448 : i32
          %get3A_450 = arith.index_cast %add3A_449 : i32 to index
          %get3A_451 = tpu.vector_load %arg9[%get3A_450] {strides = array<i32>} : memref<16400xi32, #tpu.memory_space<vmem>>, vector<16xi32>,
          %mul3A_452 = arith.constant 16 : i32
          %mul3A_453 = arith.muli %while3A_441, %mul3A_452 : i32
          %add3A_454 = vector.broadcast %mul3A_453 : i32 to vector<16xi32>
          %add3A_455 = arith.addi %add3A_454, %iota3A : vector<16xi32>
          %lt3A = vector.broadcast %select_n3A_381 : i32 to vector<16xi32>
          %lt3A_456 = arith.cmpi slt, %add3A_455, %lt3A : vector<16xi32>
          %add3A_457 = arith.addi %add3A_335, %add3A_455 : vector<16xi32>
          tpu.vector_store_idx %arg10[%add3A_457], %get3A_446 masked %lt3A_456 : memref<128xi32, #tpu.memory_space<vmem>>[vector<16xi32>], vector<16xi32>, vector<16xi1>
          tpu.vector_store_idx %arg11[%add3A_457], %get3A_451 masked %lt3A_456 : memref<128xi32, #tpu.memory_space<vmem>>[vector<16xi32>], vector<16xi32>, vector<16xi1>
          %while3A_458 = arith.constant 0 : i32
          scf.yield %while3A_458 : i32
        }
        %while3A_399 = arith.constant 1 : i32
        %while3A_400 = scf.for %while3A_441 = %while3A_396 to %while3A_392 step %while3A_399 iter_args(%while3A_442 = %while3A_398) -> (i32)  : i32 {
          %mul3A_443 = arith.constant 16 : i32
          %mul3A_444 = arith.muli %while3A_441, %mul3A_443 : i32
          %add3A_445 = arith.addi %while3A_388, %mul3A_444 : i32
          %get3A = arith.index_cast %add3A_445 : i32 to index
          %get3A_446 = tpu.vector_load %arg8[%get3A] {strides = array<i32>} : memref<16400xi32, #tpu.memory_space<vmem>>, vector<16xi32>,
          %mul3A_447 = arith.constant 16 : i32
          %mul3A_448 = arith.muli %while3A_441, %mul3A_447 : i32
          %add3A_449 = arith.addi %while3A_388, %mul3A_448 : i32
          %get3A_450 = arith.index_cast %add3A_449 : i32 to index
          %get3A_451 = tpu.vector_load %arg9[%get3A_450] {strides = array<i32>} : memref<16400xi32, #tpu.memory_space<vmem>>, vector<16xi32>,
          %mul3A_452 = arith.constant 16 : i32
          %mul3A_453 = arith.muli %while3A_441, %mul3A_452 : i32
          %add3A_454 = vector.broadcast %mul3A_453 : i32 to vector<16xi32>
          %add3A_455 = arith.addi %add3A_454, %iota3A : vector<16xi32>
          %lt3A = vector.broadcast %select_n3A_381 : i32 to vector<16xi32>
          %lt3A_456 = arith.cmpi slt, %add3A_455, %lt3A : vector<16xi32>
          %add3A_457 = arith.addi %add3A_335, %add3A_455 : vector<16xi32>
          tpu.vector_store_idx %arg10[%add3A_457], %get3A_446 masked %lt3A_456 : memref<128xi32, #tpu.memory_space<vmem>>[vector<16xi32>], vector<16xi32>, vector<16xi1>
          tpu.vector_store_idx %arg11[%add3A_457], %get3A_451 masked %lt3A_456 : memref<128xi32, #tpu.memory_space<vmem>>[vector<16xi32>], vector<16xi32>, vector<16xi1>
          %while3A_458 = arith.constant 0 : i32
          scf.yield %while3A_458 : i32
        }
        %add3A_401 = vector.broadcast %select_n3A_381 : i32 to vector<16xi32>
        %add3A_402 = arith.addi %add3A_335, %add3A_401 : vector<16xi32>
        %select_n3A_403 = arith.select %ge3A_374, %reduce_max3A_365, %reduce_max3A_373 : i32
        %sub3A_404 = arith.subi %select_n3A_306, %reduce_max3A_365 : i32
        %select_n3A_405 = arith.select %ge3A_374, %select_n3A_306, %sub3A_404 : i32
        %jit3A_406 = arith.constant 0 : i32
        %jit3A_407 = arith.constant 8192 : i32
        %select_n3A_408 = arith.select %ge3A_374, %jit3A_406, %jit3A_407 : i32
        %select_n3A_409 = arith.select %or3A_336, %select_n3A_305, %select_n3A_403 : i32
        %select_n3A_410 = arith.select %or3A_336, %select_n3A_306, %select_n3A_405 : i32
        %select_n3A_411 = arith.select %or3A_336, %select_n3A_307, %select_n3A_408 : i32
        %not3A_412 = arith.constant true
        %not3A_413 = arith.xori %or3A_336, %not3A_412 : i1
        %eq3A_414 = arith.cmpi eq, %select_n3A_409, %select_n3A_410 : i32
        %or3A_415 = arith.constant false
        %or3A_416 = arith.ori %eq3A_414, %or3A_415 : i1
        %and3A_417 = arith.andi %not3A_413, %or3A_416 : i1
        %jit3A_418 = arith.constant 0 : i32
        %select_n3A_419 = arith.select %and3A_417, %select_n3A_410, %jit3A_418 : i32
        %add3A_420 = arith.constant 16 : i32
        %add3A_421 = arith.addi %select_n3A_419, %add3A_420 : i32
        %sub3A_422 = arith.constant 1 : i32
        %sub3A_423 = arith.subi %add3A_421, %sub3A_422 : i32
        %shift_right_arithmetic3A_424 = arith.constant 4 : i32
        %shift_right_arithmetic3A_425 = arith.shrsi %sub3A_423, %shift_right_arithmetic3A_424 : i32
        %while3A_426 = arith.constant 0 : i32
        %while3A_427 = arith.constant 0 : i32
        %while3A_428 = arith.subi %shift_right_arithmetic3A_425, %while3A_426 : i32
        %while3A_429 = arith.addi %while3A_426, %while3A_428 : i32
        %while3A_430 = arith.constant 1 : i32
        %while3A_431 = arith.divsi %while3A_428, %while3A_430 : i32
        %while3A_432 = arith.muli %while3A_431, %while3A_430 : i32
        %while3A_433 = arith.addi %while3A_426, %while3A_432 : i32
        %while3A_434 = arith.constant 1 : i32
        %while3A_435 = scf.for %while3A_441 = %while3A_426 to %while3A_433 step %while3A_434 iter_args(%while3A_442 = %while3A_427) -> (i32)  : i32 {
          %mul3A_443 = arith.constant 16 : i32
          %mul3A_444 = arith.muli %while3A_441, %mul3A_443 : i32
          %add3A_445 = arith.addi %select_n3A_411, %mul3A_444 : i32
          %get3A = arith.index_cast %add3A_445 : i32 to index
          %get3A_446 = tpu.vector_load %arg8[%get3A] {strides = array<i32>} : memref<16400xi32, #tpu.memory_space<vmem>>, vector<16xi32>,
          %mul3A_447 = arith.constant 16 : i32
          %mul3A_448 = arith.muli %while3A_441, %mul3A_447 : i32
          %add3A_449 = arith.addi %select_n3A_411, %mul3A_448 : i32
          %get3A_450 = arith.index_cast %add3A_449 : i32 to index
          %get3A_451 = tpu.vector_load %arg9[%get3A_450] {strides = array<i32>} : memref<16400xi32, #tpu.memory_space<vmem>>, vector<16xi32>,
          %mul3A_452 = arith.constant 16 : i32
          %mul3A_453 = arith.muli %while3A_441, %mul3A_452 : i32
          %add3A_454 = vector.broadcast %mul3A_453 : i32 to vector<16xi32>
          %add3A_455 = arith.addi %add3A_454, %iota3A : vector<16xi32>
          %lt3A = vector.broadcast %select_n3A_419 : i32 to vector<16xi32>
          %lt3A_456 = arith.cmpi slt, %add3A_455, %lt3A : vector<16xi32>
          %add3A_457 = arith.addi %add3A_402, %add3A_455 : vector<16xi32>
          tpu.vector_store_idx %arg10[%add3A_457], %get3A_446 masked %lt3A_456 : memref<128xi32, #tpu.memory_space<vmem>>[vector<16xi32>], vector<16xi32>, vector<16xi1>
          tpu.vector_store_idx %arg11[%add3A_457], %get3A_451 masked %lt3A_456 : memref<128xi32, #tpu.memory_space<vmem>>[vector<16xi32>], vector<16xi32>, vector<16xi1>
          %while3A_458 = arith.constant 0 : i32
          scf.yield %while3A_458 : i32
        }
        %while3A_436 = arith.constant 1 : i32
        %while3A_437 = scf.for %while3A_441 = %while3A_433 to %while3A_429 step %while3A_436 iter_args(%while3A_442 = %while3A_435) -> (i32)  : i32 {
          %mul3A_443 = arith.constant 16 : i32
          %mul3A_444 = arith.muli %while3A_441, %mul3A_443 : i32
          %add3A_445 = arith.addi %select_n3A_411, %mul3A_444 : i32
          %get3A = arith.index_cast %add3A_445 : i32 to index
          %get3A_446 = tpu.vector_load %arg8[%get3A] {strides = array<i32>} : memref<16400xi32, #tpu.memory_space<vmem>>, vector<16xi32>,
          %mul3A_447 = arith.constant 16 : i32
          %mul3A_448 = arith.muli %while3A_441, %mul3A_447 : i32
          %add3A_449 = arith.addi %select_n3A_411, %mul3A_448 : i32
          %get3A_450 = arith.index_cast %add3A_449 : i32 to index
          %get3A_451 = tpu.vector_load %arg9[%get3A_450] {strides = array<i32>} : memref<16400xi32, #tpu.memory_space<vmem>>, vector<16xi32>,
          %mul3A_452 = arith.constant 16 : i32
          %mul3A_453 = arith.muli %while3A_441, %mul3A_452 : i32
          %add3A_454 = vector.broadcast %mul3A_453 : i32 to vector<16xi32>
          %add3A_455 = arith.addi %add3A_454, %iota3A : vector<16xi32>
          %lt3A = vector.broadcast %select_n3A_419 : i32 to vector<16xi32>
          %lt3A_456 = arith.cmpi slt, %add3A_455, %lt3A : vector<16xi32>
          %add3A_457 = arith.addi %add3A_402, %add3A_455 : vector<16xi32>
          tpu.vector_store_idx %arg10[%add3A_457], %get3A_446 masked %lt3A_456 : memref<128xi32, #tpu.memory_space<vmem>>[vector<16xi32>], vector<16xi32>, vector<16xi1>
          tpu.vector_store_idx %arg11[%add3A_457], %get3A_451 masked %lt3A_456 : memref<128xi32, #tpu.memory_space<vmem>>[vector<16xi32>], vector<16xi32>, vector<16xi1>
          %while3A_458 = arith.constant 0 : i32
          scf.yield %while3A_458 : i32
        }
        %add3A_438 = vector.broadcast %select_n3A_419 : i32 to vector<16xi32>
        %add3A_439 = arith.addi %add3A_402, %add3A_438 : vector<16xi32>
        %or3A_440 = arith.ori %or3A_336, %and3A_417 : i1
        scf.yield %select_n3A_409, %select_n3A_410, %select_n3A_411, %add3A_439, %or3A_440 : i32, i32, i32, vector<16xi32>, i1
      }
      %scan3A_110 = arith.constant 15 : i32
      %add3A_111 = arith.constant 16 : i32
      %add3A_112 = arith.addi %scan3A_109#0, %add3A_111 : i32
      %sub3A_113 = arith.constant 1 : i32
      %sub3A_114 = arith.subi %add3A_112, %sub3A_113 : i32
      %shift_right_arithmetic3A_115 = arith.constant 4 : i32
      %shift_right_arithmetic3A_116 = arith.shrsi %sub3A_114, %shift_right_arithmetic3A_115 : i32
      %jit3A_117 = arith.constant 0 : i32
      %select_n3A_118 = arith.select %scan3A_109#4, %jit3A_117, %shift_right_arithmetic3A_116 : i32
      %while3A_119 = arith.constant 0 : i32
      %while3A_120 = arith.subi %select_n3A_118, %while3A_119 : i32
      %while3A_121 = arith.addi %while3A_119, %while3A_120 : i32
      %while3A_122 = arith.constant 1 : i32
      %while3A_123 = arith.divsi %while3A_120, %while3A_122 : i32
      %while3A_124 = arith.muli %while3A_123, %while3A_122 : i32
      %while3A_125 = arith.addi %while3A_119, %while3A_124 : i32
      %while3A_126 = arith.constant 1 : i32
      %while3A_127:2 = scf.for %while3A_225 = %while3A_119 to %while3A_125 step %while3A_126 iter_args(%while3A_226 = %broadcast_in_dim3A_1, %while3A_227 = %broadcast_in_dim3A_1) -> (vector<16xi32>, vector<16xi32>)  : i32 {
        %mul3A_228 = arith.constant 16 : i32
        %mul3A_229 = arith.muli %while3A_225, %mul3A_228 : i32
        %add3A_230 = arith.addi %scan3A_109#2, %mul3A_229 : i32
        %get3A = arith.index_cast %add3A_230 : i32 to index
        %get3A_231 = tpu.vector_load %arg8[%get3A] {strides = array<i32>} : memref<16400xi32, #tpu.memory_space<vmem>>, vector<16xi32>,
        %mul3A_232 = arith.constant 16 : i32
        %mul3A_233 = arith.muli %while3A_225, %mul3A_232 : i32
        %add3A_234 = arith.addi %scan3A_109#2, %mul3A_233 : i32
        %get3A_235 = arith.index_cast %add3A_234 : i32 to index
        %get3A_236 = tpu.vector_load %arg9[%get3A_235] {strides = array<i32>} : memref<16400xi32, #tpu.memory_space<vmem>>, vector<16xi32>,
        %mul3A_237 = arith.constant 16 : i32
        %mul3A_238 = arith.muli %while3A_225, %mul3A_237 : i32
        %add3A_239 = vector.broadcast %mul3A_238 : i32 to vector<16xi32>
        %add3A_240 = arith.addi %add3A_239, %iota3A : vector<16xi32>
        %lt3A = vector.broadcast %scan3A_109#0 : i32 to vector<16xi32>
        %lt3A_241 = arith.cmpi slt, %add3A_240, %lt3A : vector<16xi32>
        %broadcast_in_dim3A_242 = arith.constant 0 : i32
        %broadcast_in_dim3A_243 = vector.broadcast %broadcast_in_dim3A_242 : i32 to vector<16xi32>
        %shift_right_logical3A = arith.shrui %get3A_231, %broadcast_in_dim3A_243 : vector<16xi32>
        %and3A_244 = arith.constant 1 : i32
        %and3A_245 = vector.broadcast %and3A_244 : i32 to vector<16xi32>
        %and3A_246 = arith.andi %shift_right_logical3A, %and3A_245 : vector<16xi32>
        %eq3A_247 = arith.constant 1 : i32
        %eq3A_248 = vector.broadcast %eq3A_247 : i32 to vector<16xi32>
        %eq3A_249 = arith.cmpi eq, %and3A_246, %eq3A_248 : vector<16xi32>
        %and3A_250 = arith.andi %eq3A_249, %lt3A_241 : vector<16xi1>
        %eq3A_251 = arith.constant 0 : i32
        %eq3A_252 = vector.broadcast %eq3A_251 : i32 to vector<16xi32>
        %eq3A_253 = arith.cmpi eq, %and3A_246, %eq3A_252 : vector<16xi32>
        %and3A_254 = arith.andi %eq3A_253, %lt3A_241 : vector<16xi1>
        %convert_element_type3A = arith.extui %and3A_250 : vector<16xi1> to vector<16xi32>
        %broadcast_in_dim3A_255 = arith.constant true
        %broadcast_in_dim3A_256 = vector.broadcast %broadcast_in_dim3A_255 : i1 to vector<16xi1>
        %masked_cumsum3A = tpu.scan <sum>, %convert_element_type3A masked %broadcast_in_dim3A_256 : vector<16xi32>, vector<16xi1> -> vector<16xi32>
        %convert_element_type3A_257 = arith.extui %and3A_254 : vector<16xi1> to vector<16xi32>
        %broadcast_in_dim3A_258 = arith.constant true
        %broadcast_in_dim3A_259 = vector.broadcast %broadcast_in_dim3A_258 : i1 to vector<16xi1>
        %masked_cumsum3A_260 = tpu.scan <sum>, %convert_element_type3A_257 masked %broadcast_in_dim3A_259 : vector<16xi32>, vector<16xi1> -> vector<16xi32>
        %add3A_261 = arith.addi %while3A_226, %masked_cumsum3A : vector<16xi32>
        %sub3A_262 = arith.constant 1 : i32
        %sub3A_263 = vector.broadcast %sub3A_262 : i32 to vector<16xi32>
        %sub3A_264 = arith.subi %add3A_261, %sub3A_263 : vector<16xi32>
        tpu.vector_store_idx %arg6[%sub3A_264], %get3A_231 masked %and3A_250 : memref<16400xi32, #tpu.memory_space<vmem>>[vector<16xi32>], vector<16xi32>, vector<16xi1>
        %add3A_265 = arith.addi %while3A_226, %masked_cumsum3A : vector<16xi32>
        %sub3A_266 = arith.constant 1 : i32
        %sub3A_267 = vector.broadcast %sub3A_266 : i32 to vector<16xi32>
        %sub3A_268 = arith.subi %add3A_265, %sub3A_267 : vector<16xi32>
        tpu.vector_store_idx %arg7[%sub3A_268], %get3A_236 masked %and3A_250 : memref<16400xi32, #tpu.memory_space<vmem>>[vector<16xi32>], vector<16xi32>, vector<16xi1>
        %add3A_269 = arith.addi %while3A_227, %masked_cumsum3A_260 : vector<16xi32>
        %sub3A_270 = arith.constant 1 : i32
        %sub3A_271 = vector.broadcast %sub3A_270 : i32 to vector<16xi32>
        %sub3A_272 = arith.subi %add3A_269, %sub3A_271 : vector<16xi32>
        %add3A_273 = arith.constant 8192 : i32
        %add3A_274 = vector.broadcast %add3A_273 : i32 to vector<16xi32>
        %add3A_275 = arith.addi %add3A_274, %sub3A_272 : vector<16xi32>
        tpu.vector_store_idx %arg6[%add3A_275], %get3A_231 masked %and3A_254 : memref<16400xi32, #tpu.memory_space<vmem>>[vector<16xi32>], vector<16xi32>, vector<16xi1>
        %add3A_276 = arith.addi %while3A_227, %masked_cumsum3A_260 : vector<16xi32>
        %sub3A_277 = arith.constant 1 : i32
        %sub3A_278 = vector.broadcast %sub3A_277 : i32 to vector<16xi32>
        %sub3A_279 = arith.subi %add3A_276, %sub3A_278 : vector<16xi32>
        %add3A_280 = arith.constant 8192 : i32
        %add3A_281 = vector.broadcast %add3A_280 : i32 to vector<16xi32>
        %add3A_282 = arith.addi %add3A_281, %sub3A_279 : vector<16xi32>
        tpu.vector_store_idx %arg7[%add3A_282], %get3A_236 masked %and3A_254 : memref<16400xi32, #tpu.memory_space<vmem>>[vector<16xi32>], vector<16xi32>, vector<16xi1>
        %all_reduce_population_count3A = tpu.all_reduce %and3A_250 {dim = 0 : i64, kind = #tpu.reduction_kind<sum>} : vector<16xi1> -> vector<16xi32>
        %add3A_283 = arith.addi %while3A_226, %all_reduce_population_count3A : vector<16xi32>
        %all_reduce_population_count3A_284 = tpu.all_reduce %and3A_254 {dim = 0 : i64, kind = #tpu.reduction_kind<sum>} : vector<16xi1> -> vector<16xi32>
        %add3A_285 = arith.addi %while3A_227, %all_reduce_population_count3A_284 : vector<16xi32>
        scf.yield %add3A_283, %add3A_285 : vector<16xi32>, vector<16xi32>
      }
      %while3A_128 = arith.constant 1 : i32
      %while3A_129:2 = scf.for %while3A_225 = %while3A_125 to %while3A_121 step %while3A_128 iter_args(%while3A_226 = %while3A_127#0, %while3A_227 = %while3A_127#1) -> (vector<16xi32>, vector<16xi32>)  : i32 {
        %mul3A_228 = arith.constant 16 : i32
        %mul3A_229 = arith.muli %while3A_225, %mul3A_228 : i32
        %add3A_230 = arith.addi %scan3A_109#2, %mul3A_229 : i32
        %get3A = arith.index_cast %add3A_230 : i32 to index
        %get3A_231 = tpu.vector_load %arg8[%get3A] {strides = array<i32>} : memref<16400xi32, #tpu.memory_space<vmem>>, vector<16xi32>,
        %mul3A_232 = arith.constant 16 : i32
        %mul3A_233 = arith.muli %while3A_225, %mul3A_232 : i32
        %add3A_234 = arith.addi %scan3A_109#2, %mul3A_233 : i32
        %get3A_235 = arith.index_cast %add3A_234 : i32 to index
        %get3A_236 = tpu.vector_load %arg9[%get3A_235] {strides = array<i32>} : memref<16400xi32, #tpu.memory_space<vmem>>, vector<16xi32>,
        %mul3A_237 = arith.constant 16 : i32
        %mul3A_238 = arith.muli %while3A_225, %mul3A_237 : i32
        %add3A_239 = vector.broadcast %mul3A_238 : i32 to vector<16xi32>
        %add3A_240 = arith.addi %add3A_239, %iota3A : vector<16xi32>
        %lt3A = vector.broadcast %scan3A_109#0 : i32 to vector<16xi32>
        %lt3A_241 = arith.cmpi slt, %add3A_240, %lt3A : vector<16xi32>
        %broadcast_in_dim3A_242 = arith.constant 0 : i32
        %broadcast_in_dim3A_243 = vector.broadcast %broadcast_in_dim3A_242 : i32 to vector<16xi32>
        %shift_right_logical3A = arith.shrui %get3A_231, %broadcast_in_dim3A_243 : vector<16xi32>
        %and3A_244 = arith.constant 1 : i32
        %and3A_245 = vector.broadcast %and3A_244 : i32 to vector<16xi32>
        %and3A_246 = arith.andi %shift_right_logical3A, %and3A_245 : vector<16xi32>
        %eq3A_247 = arith.constant 1 : i32
        %eq3A_248 = vector.broadcast %eq3A_247 : i32 to vector<16xi32>
        %eq3A_249 = arith.cmpi eq, %and3A_246, %eq3A_248 : vector<16xi32>
        %and3A_250 = arith.andi %eq3A_249, %lt3A_241 : vector<16xi1>
        %eq3A_251 = arith.constant 0 : i32
        %eq3A_252 = vector.broadcast %eq3A_251 : i32 to vector<16xi32>
        %eq3A_253 = arith.cmpi eq, %and3A_246, %eq3A_252 : vector<16xi32>
        %and3A_254 = arith.andi %eq3A_253, %lt3A_241 : vector<16xi1>
        %convert_element_type3A = arith.extui %and3A_250 : vector<16xi1> to vector<16xi32>
        %broadcast_in_dim3A_255 = arith.constant true
        %broadcast_in_dim3A_256 = vector.broadcast %broadcast_in_dim3A_255 : i1 to vector<16xi1>
        %masked_cumsum3A = tpu.scan <sum>, %convert_element_type3A masked %broadcast_in_dim3A_256 : vector<16xi32>, vector<16xi1> -> vector<16xi32>
        %convert_element_type3A_257 = arith.extui %and3A_254 : vector<16xi1> to vector<16xi32>
        %broadcast_in_dim3A_258 = arith.constant true
        %broadcast_in_dim3A_259 = vector.broadcast %broadcast_in_dim3A_258 : i1 to vector<16xi1>
        %masked_cumsum3A_260 = tpu.scan <sum>, %convert_element_type3A_257 masked %broadcast_in_dim3A_259 : vector<16xi32>, vector<16xi1> -> vector<16xi32>
        %add3A_261 = arith.addi %while3A_226, %masked_cumsum3A : vector<16xi32>
        %sub3A_262 = arith.constant 1 : i32
        %sub3A_263 = vector.broadcast %sub3A_262 : i32 to vector<16xi32>
        %sub3A_264 = arith.subi %add3A_261, %sub3A_263 : vector<16xi32>
        tpu.vector_store_idx %arg6[%sub3A_264], %get3A_231 masked %and3A_250 : memref<16400xi32, #tpu.memory_space<vmem>>[vector<16xi32>], vector<16xi32>, vector<16xi1>
        %add3A_265 = arith.addi %while3A_226, %masked_cumsum3A : vector<16xi32>
        %sub3A_266 = arith.constant 1 : i32
        %sub3A_267 = vector.broadcast %sub3A_266 : i32 to vector<16xi32>
        %sub3A_268 = arith.subi %add3A_265, %sub3A_267 : vector<16xi32>
        tpu.vector_store_idx %arg7[%sub3A_268], %get3A_236 masked %and3A_250 : memref<16400xi32, #tpu.memory_space<vmem>>[vector<16xi32>], vector<16xi32>, vector<16xi1>
        %add3A_269 = arith.addi %while3A_227, %masked_cumsum3A_260 : vector<16xi32>
        %sub3A_270 = arith.constant 1 : i32
        %sub3A_271 = vector.broadcast %sub3A_270 : i32 to vector<16xi32>
        %sub3A_272 = arith.subi %add3A_269, %sub3A_271 : vector<16xi32>
        %add3A_273 = arith.constant 8192 : i32
        %add3A_274 = vector.broadcast %add3A_273 : i32 to vector<16xi32>
        %add3A_275 = arith.addi %add3A_274, %sub3A_272 : vector<16xi32>
        tpu.vector_store_idx %arg6[%add3A_275], %get3A_231 masked %and3A_254 : memref<16400xi32, #tpu.memory_space<vmem>>[vector<16xi32>], vector<16xi32>, vector<16xi1>
        %add3A_276 = arith.addi %while3A_227, %masked_cumsum3A_260 : vector<16xi32>
        %sub3A_277 = arith.constant 1 : i32
        %sub3A_278 = vector.broadcast %sub3A_277 : i32 to vector<16xi32>
        %sub3A_279 = arith.subi %add3A_276, %sub3A_278 : vector<16xi32>
        %add3A_280 = arith.constant 8192 : i32
        %add3A_281 = vector.broadcast %add3A_280 : i32 to vector<16xi32>
        %add3A_282 = arith.addi %add3A_281, %sub3A_279 : vector<16xi32>
        tpu.vector_store_idx %arg7[%add3A_282], %get3A_236 masked %and3A_254 : memref<16400xi32, #tpu.memory_space<vmem>>[vector<16xi32>], vector<16xi32>, vector<16xi1>
        %all_reduce_population_count3A = tpu.all_reduce %and3A_250 {dim = 0 : i64, kind = #tpu.reduction_kind<sum>} : vector<16xi1> -> vector<16xi32>
        %add3A_283 = arith.addi %while3A_226, %all_reduce_population_count3A : vector<16xi32>
        %all_reduce_population_count3A_284 = tpu.all_reduce %and3A_254 {dim = 0 : i64, kind = #tpu.reduction_kind<sum>} : vector<16xi1> -> vector<16xi32>
        %add3A_285 = arith.addi %while3A_227, %all_reduce_population_count3A_284 : vector<16xi32>
        scf.yield %add3A_283, %add3A_285 : vector<16xi32>, vector<16xi32>
      }
      %reduce_max3A_130 = arith.constant true
      %reduce_max3A_131 = vector.broadcast %reduce_max3A_130 : i1 to vector<16xi1>
      %reduce_max3A_132 = arith.constant -2147483648 : i32
      %reduce_max3A_133 = vector.broadcast %reduce_max3A_132 : i32 to vector<16xi32>
      %reduce_max3A_134 = arith.xori %while3A_129#0, %reduce_max3A_133 : vector<16xi32>
      %reduce_max3A_135 = tpu.scan <max>, %reduce_max3A_134 masked %reduce_max3A_131 : vector<16xi32>, vector<16xi1> -> vector<16xi32>
      %reduce_max3A_136 = arith.xori %reduce_max3A_135, %reduce_max3A_133 : vector<16xi32>
      %reduce_max3A_137 = vector.extract %reduce_max3A_136[15] : i32 from vector<16xi32>
      %reduce_max3A_138 = arith.constant true
      %reduce_max3A_139 = vector.broadcast %reduce_max3A_138 : i1 to vector<16xi1>
      %reduce_max3A_140 = arith.constant -2147483648 : i32
      %reduce_max3A_141 = vector.broadcast %reduce_max3A_140 : i32 to vector<16xi32>
      %reduce_max3A_142 = arith.xori %while3A_129#1, %reduce_max3A_141 : vector<16xi32>
      %reduce_max3A_143 = tpu.scan <max>, %reduce_max3A_142 masked %reduce_max3A_139 : vector<16xi32>, vector<16xi1> -> vector<16xi32>
      %reduce_max3A_144 = arith.xori %reduce_max3A_143, %reduce_max3A_141 : vector<16xi32>
      %reduce_max3A_145 = vector.extract %reduce_max3A_144[15] : i32 from vector<16xi32>
      %ge3A_146 = arith.cmpi sge, %reduce_max3A_137, %scan3A_109#1 : i32
      %not3A_147 = arith.constant true
      %not3A_148 = arith.xori %scan3A_109#4, %not3A_147 : i1
      %not3A_149 = arith.constant true
      %not3A_150 = arith.xori %ge3A_146, %not3A_149 : i1
      %and3A_151 = arith.andi %not3A_148, %not3A_150 : i1
      %jit3A_152 = arith.constant 0 : i32
      %select_n3A_153 = arith.select %and3A_151, %reduce_max3A_137, %jit3A_152 : i32
      %add3A_154 = arith.constant 16 : i32
      %add3A_155 = arith.addi %select_n3A_153, %add3A_154 : i32
      %sub3A_156 = arith.constant 1 : i32
      %sub3A_157 = arith.subi %add3A_155, %sub3A_156 : i32
      %shift_right_arithmetic3A_158 = arith.constant 4 : i32
      %shift_right_arithmetic3A_159 = arith.shrsi %sub3A_157, %shift_right_arithmetic3A_158 : i32
      %while3A_160 = arith.constant 0 : i32
      %while3A_161 = arith.constant 0 : i32
      %while3A_162 = arith.constant 0 : i32
      %while3A_163 = arith.subi %shift_right_arithmetic3A_159, %while3A_161 : i32
      %while3A_164 = arith.addi %while3A_161, %while3A_163 : i32
      %while3A_165 = arith.constant 1 : i32
      %while3A_166 = arith.divsi %while3A_163, %while3A_165 : i32
      %while3A_167 = arith.muli %while3A_166, %while3A_165 : i32
      %while3A_168 = arith.addi %while3A_161, %while3A_167 : i32
      %while3A_169 = arith.constant 1 : i32
      %while3A_170 = scf.for %while3A_225 = %while3A_161 to %while3A_168 step %while3A_169 iter_args(%while3A_226 = %while3A_162) -> (i32)  : i32 {
        %mul3A_227 = arith.constant 16 : i32
        %mul3A_228 = arith.muli %while3A_225, %mul3A_227 : i32
        %add3A_229 = arith.addi %while3A_160, %mul3A_228 : i32
        %get3A = arith.index_cast %add3A_229 : i32 to index
        %get3A_230 = tpu.vector_load %arg6[%get3A] {strides = array<i32>} : memref<16400xi32, #tpu.memory_space<vmem>>, vector<16xi32>,
        %mul3A_231 = arith.constant 16 : i32
        %mul3A_232 = arith.muli %while3A_225, %mul3A_231 : i32
        %add3A_233 = arith.addi %while3A_160, %mul3A_232 : i32
        %get3A_234 = arith.index_cast %add3A_233 : i32 to index
        %get3A_235 = tpu.vector_load %arg7[%get3A_234] {strides = array<i32>} : memref<16400xi32, #tpu.memory_space<vmem>>, vector<16xi32>,
        %mul3A_236 = arith.constant 16 : i32
        %mul3A_237 = arith.muli %while3A_225, %mul3A_236 : i32
        %add3A_238 = vector.broadcast %mul3A_237 : i32 to vector<16xi32>
        %add3A_239 = arith.addi %add3A_238, %iota3A : vector<16xi32>
        %lt3A = vector.broadcast %select_n3A_153 : i32 to vector<16xi32>
        %lt3A_240 = arith.cmpi slt, %add3A_239, %lt3A : vector<16xi32>
        %add3A_241 = arith.addi %scan3A_109#3, %add3A_239 : vector<16xi32>
        tpu.vector_store_idx %arg10[%add3A_241], %get3A_230 masked %lt3A_240 : memref<128xi32, #tpu.memory_space<vmem>>[vector<16xi32>], vector<16xi32>, vector<16xi1>
        tpu.vector_store_idx %arg11[%add3A_241], %get3A_235 masked %lt3A_240 : memref<128xi32, #tpu.memory_space<vmem>>[vector<16xi32>], vector<16xi32>, vector<16xi1>
        %while3A_242 = arith.constant 0 : i32
        scf.yield %while3A_242 : i32
      }
      %while3A_171 = arith.constant 1 : i32
      %while3A_172 = scf.for %while3A_225 = %while3A_168 to %while3A_164 step %while3A_171 iter_args(%while3A_226 = %while3A_170) -> (i32)  : i32 {
        %mul3A_227 = arith.constant 16 : i32
        %mul3A_228 = arith.muli %while3A_225, %mul3A_227 : i32
        %add3A_229 = arith.addi %while3A_160, %mul3A_228 : i32
        %get3A = arith.index_cast %add3A_229 : i32 to index
        %get3A_230 = tpu.vector_load %arg6[%get3A] {strides = array<i32>} : memref<16400xi32, #tpu.memory_space<vmem>>, vector<16xi32>,
        %mul3A_231 = arith.constant 16 : i32
        %mul3A_232 = arith.muli %while3A_225, %mul3A_231 : i32
        %add3A_233 = arith.addi %while3A_160, %mul3A_232 : i32
        %get3A_234 = arith.index_cast %add3A_233 : i32 to index
        %get3A_235 = tpu.vector_load %arg7[%get3A_234] {strides = array<i32>} : memref<16400xi32, #tpu.memory_space<vmem>>, vector<16xi32>,
        %mul3A_236 = arith.constant 16 : i32
        %mul3A_237 = arith.muli %while3A_225, %mul3A_236 : i32
        %add3A_238 = vector.broadcast %mul3A_237 : i32 to vector<16xi32>
        %add3A_239 = arith.addi %add3A_238, %iota3A : vector<16xi32>
        %lt3A = vector.broadcast %select_n3A_153 : i32 to vector<16xi32>
        %lt3A_240 = arith.cmpi slt, %add3A_239, %lt3A : vector<16xi32>
        %add3A_241 = arith.addi %scan3A_109#3, %add3A_239 : vector<16xi32>
        tpu.vector_store_idx %arg10[%add3A_241], %get3A_230 masked %lt3A_240 : memref<128xi32, #tpu.memory_space<vmem>>[vector<16xi32>], vector<16xi32>, vector<16xi1>
        tpu.vector_store_idx %arg11[%add3A_241], %get3A_235 masked %lt3A_240 : memref<128xi32, #tpu.memory_space<vmem>>[vector<16xi32>], vector<16xi32>, vector<16xi1>
        %while3A_242 = arith.constant 0 : i32
        scf.yield %while3A_242 : i32
      }
      %add3A_173 = vector.broadcast %select_n3A_153 : i32 to vector<16xi32>
      %add3A_174 = arith.addi %scan3A_109#3, %add3A_173 : vector<16xi32>
      %select_n3A_175 = arith.select %ge3A_146, %reduce_max3A_137, %reduce_max3A_145 : i32
      %sub3A_176 = arith.subi %scan3A_109#1, %reduce_max3A_137 : i32
      %select_n3A_177 = arith.select %ge3A_146, %scan3A_109#1, %sub3A_176 : i32
      %jit3A_178 = arith.constant 0 : i32
      %jit3A_179 = arith.constant 8192 : i32
      %select_n3A_180 = arith.select %ge3A_146, %jit3A_178, %jit3A_179 : i32
      %select_n3A_181 = arith.select %scan3A_109#4, %scan3A_109#0, %select_n3A_175 : i32
      %select_n3A_182 = arith.select %scan3A_109#4, %scan3A_109#1, %select_n3A_177 : i32
      %select_n3A_183 = arith.select %scan3A_109#4, %scan3A_109#2, %select_n3A_180 : i32
      %not3A_184 = arith.constant true
      %not3A_185 = arith.xori %scan3A_109#4, %not3A_184 : i1
      %eq3A_186 = arith.cmpi eq, %select_n3A_181, %select_n3A_182 : i32
      %or3A_187 = arith.constant true
      %or3A_188 = arith.ori %eq3A_186, %or3A_187 : i1
      %and3A_189 = arith.andi %not3A_185, %or3A_188 : i1
      %jit3A_190 = arith.constant 0 : i32
      %select_n3A_191 = arith.select %and3A_189, %select_n3A_182, %jit3A_190 : i32
      %add3A_192 = arith.constant 16 : i32
      %add3A_193 = arith.addi %select_n3A_191, %add3A_192 : i32
      %sub3A_194 = arith.constant 1 : i32
      %sub3A_195 = arith.subi %add3A_193, %sub3A_194 : i32
      %shift_right_arithmetic3A_196 = arith.constant 4 : i32
      %shift_right_arithmetic3A_197 = arith.shrsi %sub3A_195, %shift_right_arithmetic3A_196 : i32
      %while3A_198 = arith.constant 0 : i32
      %while3A_199 = arith.constant 0 : i32
      %while3A_200 = arith.subi %shift_right_arithmetic3A_197, %while3A_198 : i32
      %while3A_201 = arith.addi %while3A_198, %while3A_200 : i32
      %while3A_202 = arith.constant 1 : i32
      %while3A_203 = arith.divsi %while3A_200, %while3A_202 : i32
      %while3A_204 = arith.muli %while3A_203, %while3A_202 : i32
      %while3A_205 = arith.addi %while3A_198, %while3A_204 : i32
      %while3A_206 = arith.constant 1 : i32
      %while3A_207 = scf.for %while3A_225 = %while3A_198 to %while3A_205 step %while3A_206 iter_args(%while3A_226 = %while3A_199) -> (i32)  : i32 {
        %mul3A_227 = arith.constant 16 : i32
        %mul3A_228 = arith.muli %while3A_225, %mul3A_227 : i32
        %add3A_229 = arith.addi %select_n3A_183, %mul3A_228 : i32
        %get3A = arith.index_cast %add3A_229 : i32 to index
        %get3A_230 = tpu.vector_load %arg6[%get3A] {strides = array<i32>} : memref<16400xi32, #tpu.memory_space<vmem>>, vector<16xi32>,
        %mul3A_231 = arith.constant 16 : i32
        %mul3A_232 = arith.muli %while3A_225, %mul3A_231 : i32
        %add3A_233 = arith.addi %select_n3A_183, %mul3A_232 : i32
        %get3A_234 = arith.index_cast %add3A_233 : i32 to index
        %get3A_235 = tpu.vector_load %arg7[%get3A_234] {strides = array<i32>} : memref<16400xi32, #tpu.memory_space<vmem>>, vector<16xi32>,
        %mul3A_236 = arith.constant 16 : i32
        %mul3A_237 = arith.muli %while3A_225, %mul3A_236 : i32
        %add3A_238 = vector.broadcast %mul3A_237 : i32 to vector<16xi32>
        %add3A_239 = arith.addi %add3A_238, %iota3A : vector<16xi32>
        %lt3A = vector.broadcast %select_n3A_191 : i32 to vector<16xi32>
        %lt3A_240 = arith.cmpi slt, %add3A_239, %lt3A : vector<16xi32>
        %add3A_241 = arith.addi %add3A_174, %add3A_239 : vector<16xi32>
        tpu.vector_store_idx %arg10[%add3A_241], %get3A_230 masked %lt3A_240 : memref<128xi32, #tpu.memory_space<vmem>>[vector<16xi32>], vector<16xi32>, vector<16xi1>
        tpu.vector_store_idx %arg11[%add3A_241], %get3A_235 masked %lt3A_240 : memref<128xi32, #tpu.memory_space<vmem>>[vector<16xi32>], vector<16xi32>, vector<16xi1>
        %while3A_242 = arith.constant 0 : i32
        scf.yield %while3A_242 : i32
      }
      %while3A_208 = arith.constant 1 : i32
      %while3A_209 = scf.for %while3A_225 = %while3A_205 to %while3A_201 step %while3A_208 iter_args(%while3A_226 = %while3A_207) -> (i32)  : i32 {
        %mul3A_227 = arith.constant 16 : i32
        %mul3A_228 = arith.muli %while3A_225, %mul3A_227 : i32
        %add3A_229 = arith.addi %select_n3A_183, %mul3A_228 : i32
        %get3A = arith.index_cast %add3A_229 : i32 to index
        %get3A_230 = tpu.vector_load %arg6[%get3A] {strides = array<i32>} : memref<16400xi32, #tpu.memory_space<vmem>>, vector<16xi32>,
        %mul3A_231 = arith.constant 16 : i32
        %mul3A_232 = arith.muli %while3A_225, %mul3A_231 : i32
        %add3A_233 = arith.addi %select_n3A_183, %mul3A_232 : i32
        %get3A_234 = arith.index_cast %add3A_233 : i32 to index
        %get3A_235 = tpu.vector_load %arg7[%get3A_234] {strides = array<i32>} : memref<16400xi32, #tpu.memory_space<vmem>>, vector<16xi32>,
        %mul3A_236 = arith.constant 16 : i32
        %mul3A_237 = arith.muli %while3A_225, %mul3A_236 : i32
        %add3A_238 = vector.broadcast %mul3A_237 : i32 to vector<16xi32>
        %add3A_239 = arith.addi %add3A_238, %iota3A : vector<16xi32>
        %lt3A = vector.broadcast %select_n3A_191 : i32 to vector<16xi32>
        %lt3A_240 = arith.cmpi slt, %add3A_239, %lt3A : vector<16xi32>
        %add3A_241 = arith.addi %add3A_174, %add3A_239 : vector<16xi32>
        tpu.vector_store_idx %arg10[%add3A_241], %get3A_230 masked %lt3A_240 : memref<128xi32, #tpu.memory_space<vmem>>[vector<16xi32>], vector<16xi32>, vector<16xi1>
        tpu.vector_store_idx %arg11[%add3A_241], %get3A_235 masked %lt3A_240 : memref<128xi32, #tpu.memory_space<vmem>>[vector<16xi32>], vector<16xi32>, vector<16xi1>
        %while3A_242 = arith.constant 0 : i32
        scf.yield %while3A_242 : i32
      }
      %add3A_210 = vector.broadcast %select_n3A_191 : i32 to vector<16xi32>
      %add3A_211 = arith.addi %add3A_174, %add3A_210 : vector<16xi32>
      %or3A_212 = arith.ori %scan3A_109#4, %and3A_189 : i1
      %scan3A_213 = arith.constant 0 : i32
      %scan3A_214 = arith.constant 0 : i32
      %scan3A_215 = arith.constant 8 : i32
      %scan3A_216 = arith.addi %scan3A_214, %scan3A_215 : i32
      %scan3A_217 = arith.constant 1 : i32
      %scan3A_218 = scf.for %scan3A_225 = %scan3A_214 to %scan3A_216 step %scan3A_217 iter_args(%scan3A_226 = %scan3A_213) -> (i32)  : i32 {
        %mul3A_227 = arith.constant 16 : i32
        %mul3A_228 = arith.muli %scan3A_225, %mul3A_227 : i32
        %get3A = arith.index_cast %mul3A_228 : i32 to index
        %get3A_229 = tpu.vector_load %arg10[%get3A] {strides = array<i32>} : memref<128xi32, #tpu.memory_space<vmem>>, vector<16xi32>,
        %lt3A = arith.constant 0 : i32
        %lt3A_230 = vector.broadcast %lt3A : i32 to vector<16xi32>
        %lt3A_231 = arith.cmpi slt, %get3A_229, %lt3A_230 : vector<16xi32>
        %jit3A_232 = arith.constant -2147483648 : i32
        %jit3A_233 = arith.constant 2147483647 : i32
        %broadcast_in_dim3A_234 = vector.broadcast %jit3A_232 : i32 to vector<16xi32>
        %broadcast_in_dim3A_235 = vector.broadcast %jit3A_233 : i32 to vector<16xi32>
        %select_n3A_236 = arith.select %lt3A_231, %broadcast_in_dim3A_234, %broadcast_in_dim3A_235 : vector<16xi1>, vector<16xi32>
        %xor3A = arith.xori %get3A_229, %select_n3A_236 : vector<16xi32>
        %bitcast_convert_type3A = tpu.bitcast %xor3A : vector<16xi32> -> vector<16xf32>
        %mul3A_237 = arith.constant 16 : i32
        %mul3A_238 = arith.muli %scan3A_225, %mul3A_237 : i32
        %swap3A = arith.index_cast %mul3A_238 : i32 to index
        %swap3A_239 = tpu.vector_load %arg12[%swap3A] {strides = array<i32>} : memref<128xf32, #tpu.memory_space<vmem>>, vector<16xf32>,
        tpu.vector_store %arg12[%swap3A], %bitcast_convert_type3A {strides = array<i32>} : memref<128xf32, #tpu.memory_space<vmem>>, vector<16xf32>,
        %scan3A_240 = arith.constant 0 : i32
        scf.yield %scan3A_240 : i32
      }
      %scan3A_219 = arith.constant 8 : i32
      %mul3A_220 = arith.constant 128 : i32
      %mul3A_221 = arith.muli %add3A_12, %mul3A_220 : i32
      "tpu.region"() ({
        %run_scoped3A = tpu.sem_alloc : memref<!tpu.dma_semaphore, #tpu.memory_space<semaphore_mem>>
        %dma_start3A = tpu.memref_slice %arg3[%mul3A_221] : memref<8192xf32, #tpu.memory_space<hbm>> -> memref<128xf32, #tpu.memory_space<hbm>>
        %dma_start3A_225 = tpu.memref_slice %arg3[%mul3A_221] : memref<8192xf32, #tpu.memory_space<hbm>> -> memref<128xf32, #tpu.memory_space<hbm>>
        tpu.enqueue_dma source(%arg12 : memref<128xf32, #tpu.memory_space<vmem>>) target(%dma_start3A_225 : memref<128xf32, #tpu.memory_space<hbm>>) target_semaphore(%run_scoped3A : memref<!tpu.dma_semaphore, #tpu.memory_space<semaphore_mem>>)
        %dma_wait3A = tpu.memref_slice %arg3[%mul3A_221] : memref<8192xf32, #tpu.memory_space<hbm>> -> memref<128xf32, #tpu.memory_space<hbm>>
        %dma_wait3A_226 = tpu.memref_slice %arg3[%mul3A_221] : memref<8192xf32, #tpu.memory_space<hbm>> -> memref<128xf32, #tpu.memory_space<hbm>>
        tpu.wait_dma2 semaphore(%run_scoped3A : memref<!tpu.dma_semaphore, #tpu.memory_space<semaphore_mem>>) src(%arg12 : memref<128xf32, #tpu.memory_space<vmem>>) dst(%dma_wait3A_226 : memref<128xf32, #tpu.memory_space<hbm>>)
        tpu.yield
      }) : () -> ()
      %mul3A_222 = arith.constant 128 : i32
      %mul3A_223 = arith.muli %add3A_12, %mul3A_222 : i32
      "tpu.region"() ({
        %run_scoped3A = tpu.sem_alloc : memref<!tpu.dma_semaphore, #tpu.memory_space<semaphore_mem>>
        %dma_start3A = tpu.memref_slice %arg4[%mul3A_223] : memref<8192xi32, #tpu.memory_space<hbm>> -> memref<128xi32, #tpu.memory_space<hbm>>
        %dma_start3A_225 = tpu.memref_slice %arg4[%mul3A_223] : memref<8192xi32, #tpu.memory_space<hbm>> -> memref<128xi32, #tpu.memory_space<hbm>>
        tpu.enqueue_dma source(%arg11 : memref<128xi32, #tpu.memory_space<vmem>>) target(%dma_start3A_225 : memref<128xi32, #tpu.memory_space<hbm>>) target_semaphore(%run_scoped3A : memref<!tpu.dma_semaphore, #tpu.memory_space<semaphore_mem>>)
        %dma_wait3A = tpu.memref_slice %arg4[%mul3A_223] : memref<8192xi32, #tpu.memory_space<hbm>> -> memref<128xi32, #tpu.memory_space<hbm>>
        %dma_wait3A_226 = tpu.memref_slice %arg4[%mul3A_223] : memref<8192xi32, #tpu.memory_space<hbm>> -> memref<128xi32, #tpu.memory_space<hbm>>
        tpu.wait_dma2 semaphore(%run_scoped3A : memref<!tpu.dma_semaphore, #tpu.memory_space<semaphore_mem>>) src(%arg11 : memref<128xi32, #tpu.memory_space<vmem>>) dst(%dma_wait3A_226 : memref<128xi32, #tpu.memory_space<hbm>>)
        tpu.yield
      }) : () -> ()
      %scan3A_224 = arith.constant 0 : i32
      scf.yield %scan3A_224 : i32
    }
    %scan3A_7 = arith.constant 2 : i32
    return
  }
}

module attributes {stable_mosaic.version = 14 : i64} {
  func.func @_tc_sort_body(%arg0: memref<64x128xf32, #tpu.memory_space<vmem>>, %arg1: memref<64x128xi32, #tpu.memory_space<vmem>>, %arg2: memref<64x128xf32, #tpu.memory_space<vmem>>, %arg3: memref<64x128xi32, #tpu.memory_space<vmem>>) attributes {dimension_semantics = [], scalar_prefetch = 0 : i64, scratch_operands = 0 : i64, tpu.core_type = #tpu.core_type<tc>} {
    %get3A = arith.constant 0 : index
    %get3A_0 = arith.constant 0 : index
    %get3A_1 = vector.load %arg0[%get3A, %get3A_0] : memref<64x128xf32, #tpu.memory_space<vmem>>, vector<64x128xf32>
    %get3A_2 = arith.constant 0 : index
    %get3A_3 = arith.constant 0 : index
    %get3A_4 = vector.load %arg1[%get3A_2, %get3A_3] : memref<64x128xi32, #tpu.memory_space<vmem>>, vector<64x128xi32>
    %broadcast_in_dim3A = vector.shape_cast %get3A_1 : vector<64x128xf32> to vector<64x128x1xf32>
    %broadcast_in_dim3A_5 = vector.shape_cast %get3A_1 : vector<64x128xf32> to vector<64x1x128xf32>
    %broadcast_in_dim3A_6 = vector.shape_cast %get3A_4 : vector<64x128xi32> to vector<64x128x1xi32>
    %broadcast_in_dim3A_7 = vector.shape_cast %get3A_4 : vector<64x128xi32> to vector<64x1x128xi32>
    %gt3A = vector.broadcast %broadcast_in_dim3A_5 : vector<64x1x128xf32> to vector<64x128x128xf32>
    %gt3A_8 = vector.broadcast %broadcast_in_dim3A : vector<64x128x1xf32> to vector<64x128x128xf32>
    %gt3A_9 = arith.cmpf ogt, %gt3A, %gt3A_8 : vector<64x128x128xf32>
    %eq3A = vector.broadcast %broadcast_in_dim3A_5 : vector<64x1x128xf32> to vector<64x128x128xf32>
    %eq3A_10 = vector.broadcast %broadcast_in_dim3A : vector<64x128x1xf32> to vector<64x128x128xf32>
    %eq3A_11 = arith.cmpf oeq, %eq3A, %eq3A_10 : vector<64x128x128xf32>
    %lt3A = vector.broadcast %broadcast_in_dim3A_7 : vector<64x1x128xi32> to vector<64x128x128xi32>
    %lt3A_12 = vector.broadcast %broadcast_in_dim3A_6 : vector<64x128x1xi32> to vector<64x128x128xi32>
    %lt3A_13 = arith.cmpi slt, %lt3A, %lt3A_12 : vector<64x128x128xi32>
    %and3A = arith.andi %eq3A_11, %lt3A_13 : vector<64x128x128xi1>
    %or3A = arith.ori %gt3A_9, %and3A : vector<64x128x128xi1>
    %convert_element_type3A = arith.extui %or3A : vector<64x128x128xi1> to vector<64x128x128xi32>
    %reduce_sum3A = arith.constant dense<0> : vector<64x128xi32>
    %reduce_sum3A_14 = vector.multi_reduction <add>, %convert_element_type3A, %reduce_sum3A [2] : vector<64x128x128xi32> to vector<64x128xi32>
    %iota3A = tpu.iota {dimensions = array<i32: 2>} : vector<64x128x128xi32>
    %broadcast_in_dim3A_15 = vector.shape_cast %reduce_sum3A_14 : vector<64x128xi32> to vector<64x128x1xi32>
    %eq3A_16 = vector.broadcast %broadcast_in_dim3A_15 : vector<64x128x1xi32> to vector<64x128x128xi32>
    %eq3A_17 = arith.cmpi eq, %eq3A_16, %iota3A : vector<64x128x128xi32>
    %jit3A = arith.constant 0.000000e+00 : f32
    %broadcast_in_dim3A_18 = vector.shape_cast %broadcast_in_dim3A : vector<64x128x1xf32> to vector<64x128x1xf32>
    %broadcast_in_dim3A_19 = vector.broadcast %broadcast_in_dim3A_18 : vector<64x128x1xf32> to vector<64x128x128xf32>
    %broadcast_in_dim3A_20 = vector.broadcast %jit3A : f32 to vector<64x128x128xf32>
    %select_n3A = arith.select %eq3A_17, %broadcast_in_dim3A_19, %broadcast_in_dim3A_20 : vector<64x128x128xi1>, vector<64x128x128xf32>
    %reduce_sum3A_21 = arith.constant dense<0.000000e+00> : vector<64x128xf32>
    %reduce_sum3A_22 = vector.multi_reduction <add>, %select_n3A, %reduce_sum3A_21 [1] : vector<64x128x128xf32> to vector<64x128xf32>
    %swap3A = arith.constant 0 : index
    %swap3A_23 = arith.constant 0 : index
    %swap3A_24 = vector.load %arg2[%swap3A, %swap3A_23] : memref<64x128xf32, #tpu.memory_space<vmem>>, vector<64x128xf32>
    tpu.vector_store %arg2[%swap3A, %swap3A_23], %reduce_sum3A_22 {strides = array<i32>} : memref<64x128xf32, #tpu.memory_space<vmem>>, vector<64x128xf32>,
    %jit3A_25 = arith.constant 0 : i32
    %broadcast_in_dim3A_26 = vector.shape_cast %broadcast_in_dim3A_6 : vector<64x128x1xi32> to vector<64x128x1xi32>
    %broadcast_in_dim3A_27 = vector.broadcast %broadcast_in_dim3A_26 : vector<64x128x1xi32> to vector<64x128x128xi32>
    %broadcast_in_dim3A_28 = vector.broadcast %jit3A_25 : i32 to vector<64x128x128xi32>
    %select_n3A_29 = arith.select %eq3A_17, %broadcast_in_dim3A_27, %broadcast_in_dim3A_28 : vector<64x128x128xi1>, vector<64x128x128xi32>
    %reduce_sum3A_30 = arith.constant dense<0> : vector<64x128xi32>
    %reduce_sum3A_31 = vector.multi_reduction <add>, %select_n3A_29, %reduce_sum3A_30 [1] : vector<64x128x128xi32> to vector<64x128xi32>
    %swap3A_32 = arith.constant 0 : index
    %swap3A_33 = arith.constant 0 : index
    %swap3A_34 = vector.load %arg3[%swap3A_32, %swap3A_33] : memref<64x128xi32, #tpu.memory_space<vmem>>, vector<64x128xi32>
    tpu.vector_store %arg3[%swap3A_32, %swap3A_33], %reduce_sum3A_31 {strides = array<i32>} : memref<64x128xi32, #tpu.memory_space<vmem>>, vector<64x128xi32>,
    return
  }
}

</mosaic_0001>

<sc_bundles>
// kernel: kernel.4.cloned.1.call-start
scs
__scs_entry_jumppad:
0x0: {  	(pc) =	sbr.rel $0x88, $3  }
0x1: {  	(tag) =	ssettag $0x0;
	lr =	simm.s32 $0x1  }
0x2: {  	[smem:$0x3FA0] =	sst lr;
	_ =	strace $0xD0000000  }
0x3: {  	_ = 	snop  }
0x4: {  	_ = 	snop  }
0x5: {  	_ = 	snop  }
0x6: {  	_ = 	snop  }
0x7: {  	_ = 	snop  }
__scs_overlays_trampoline_lowered:
0x8: {  	[smem:$0x3FAF] =	sst s0  }
0x9: {  	[smem:$0x3FB0] =	sst s1  }
0xa: {  	[smem:$0x3FB1] =	sst s2  }
0xb: {  	[smem:$0x3FB2] =	sst s3  }
0xc: {  	[smem:$0x3FB3] =	sst s4  }
0xd: {  	[smem:$0x3FB4] =	sst s5  }
0xe: {  	[smem:$0x3FB5] =	sst s6  }
0xf: {  	[smem:$0x3FB6] =	sst s7  }
0x10: {  	[smem:$0x3FB7] =	sst s8  }
0x11: {  	[smem:$0x3FB8] =	sst s9;
	s0 =	simm.s32 @!p0 $0x0  }
0x12: {  	s1 =	sld [smem:$0x3F9E];
	s0 =	simm.s32 @p0 $0x1  }
0x13: {  	[smem:$0x3FB9] =	sst s0;
	s0 =	simm.s32 @!p1 $0x0  }
0x14: {  	s2 =	sld [smem:$0x3F9D];
	s0 =	simm.s32 @p1 $0x1  }
0x15: {  	[smem:$0x3FBA] =	sst s0;
	s0 =	simm.s32 @!p2 $0x0  }
0x16: {  	s3 =	sld [smem:$0x3FDB];
	s0 =	simm.s32 @p2 $0x1  }
0x17: {  	s4 =	simm.s32 $0x1BF5;
	[smem:$0x3FBC] =	sst s0  }
0x18: {  	s0 =	sld [smem:$0x3F9F];
	_ =	swait.ge [sflag:s4], $0x0  }
0x19: {  	s7 =	sld [smem:$0x3FA0]  }
0x1a: {  	s8 =	sadd.s32 $0xFFFFE003, lr  }
0x1b: {  	s9 =	sadd.s32 $0xFFFFFEF7, lr;
	s5 =	simm.s32 $0xFFFFFFFF;
	p2 =	slt.u32 s8, $0xFFFFF086  }
0x1c: {  	p1 =	slt.u32 s9, $0xF7A;
	s5 =	simm.s32 @!p2 $0x0  }
0x1d: {  	s5 =	simm.s32 @p1 $0x1;
	p0 =	seq.s32 s7, s2  }
0x1e: {  	s7 =	smul.u32 @!p0 $0xF7A, s2;
	p2 =	seq.s32 @!p0 s5, $0x0  }
0x1f: {  	s9 =	smul.u32 $0xF7A, s1;
	s8 =	simm.s32 @!p0 $0x1BF5;
	p2 =	por !p2, p0  }
0x20: {  	[sflag:s8] =	ssyncset.s32 @!p0 $0xFFFFF086;
	s6 =	sadd.s32 @!p0 s3, s7;
	s7 =	simm.s32 @!p0 $0x108  }
0x21: {  	s3 =	sadd.s32 s3, s9;
	s6 =	sadd.s32 @!p0 $0x88, s6;
	s7 =	simm.s32 @p2 $0x1082  }
0x22: {  	[simem:s7], [sflag:s8] =	dma.local @!p0 [hbm:s6], $0xF7A  }
0x23: {  	s9 =	sor.u32 $0xD0000000, s2;
	s6 =	simm.s32 $0x108;
	_ =	swait.ge @!p0 [sflag:s8], $0x0  }
0x24: {  	s3 =	sadd.s32 $0x88, s3;
	s6 =	simm.s32 @!p1 $0x1082;
	[sflag:s4] =	ssyncset.s32 $0xFFFFF086  }
0x25: {  	[simem:s6], [sflag:s4] =	dma.local [hbm:s3], $0xF7A  }
0x26: {  	[smem:$0x3FA0] =	sst s1;
	(tag) =	ssettag s2;
	_ =	strace s9  }
0x27: {  	s1 =	sld [smem:$0x3FB0]  }
0x28: {  	s2 =	sld [smem:$0x3FB1]  }
0x29: {  	s4 =	sld [smem:$0x3FB3]  }
0x2a: {  	p0 =	seq.s32 s5, $0x0;
	s5 =	sld [smem:$0x3FB4]  }
0x2b: {  	s6 =	sld [smem:$0x3FB5]  }
0x2c: {  	s7 =	sld [smem:$0x3FB6]  }
0x2d: {  	s3 =	simm.s32 $0x108;
	s8 =	sld [smem:$0x3FB7]  }
0x2e: {  	s3 =	simm.s32 @!p0 $0x1082;
	s9 =	sld [smem:$0x3FB8]  }
0x2f: {  	lr =	sadd.s32 s0, s3;
	s0 =	sld [smem:$0x3FAF]  }
0x30: {  	s3 =	sld [smem:$0x3FB2]  }
0x31: {  	[smem:$0x3FBB] =	sst s10  }
0x32: {  	s10 =	sld [smem:$0x3FB9];
	_ =	sdelay $0x3  }
0x33: {  	p0 =	seq.s32 s10, $0x1;
	s10 =	sld [smem:$0x3FBB];
	_ =	sdelay $0x3  }
0x34: {  	[smem:$0x3FBB] =	sst s10  }
0x35: {  	s10 =	sld [smem:$0x3FBA];
	_ =	sdelay $0x3  }
0x36: {  	p1 =	seq.s32 s10, $0x1;
	s10 =	sld [smem:$0x3FBB];
	_ =	sdelay $0x3  }
0x37: {  	[smem:$0x3FBB] =	sst s10  }
0x38: {  	s10 =	sld [smem:$0x3FBC]  }
0x39: {  	_ = 	snop;
	(pc) =	sbr.ind lr, $3  }
0x3a: {  	_ = 	snop  }
0x3b: {  	_ = 	snop  }
0x3c: {  	p2 =	seq.s32 s10, $0x1;
	s10 =	sld [smem:$0x3FBB]  }
0x3d: {  	_ =	shalt  }
0x3e: {  	_ =	shalt  }
0x3f: {  	_ =	shalt  }
0x40: {  	_ =	shalt  }
0x41: {  	_ =	shalt  }
0x42: {  	_ =	shalt  }
0x43: {  	_ =	shalt  }
0x44: {  	_ =	shalt  }
0x45: {  	_ =	shalt  }
0x46: {  	_ =	shalt  }
0x47: {  	_ =	shalt  }
0x48: {  	_ =	shalt  }
0x49: {  	_ =	shalt  }
0x4a: {  	_ =	shalt  }
0x4b: {  	_ =	shalt  }
0x4c: {  	_ =	shalt  }
0x4d: {  	_ =	shalt  }
0x4e: {  	_ =	shalt  }
0x4f: {  	_ =	shalt  }
0x50: {  	_ =	shalt  }
0x51: {  	_ =	shalt  }
0x52: {  	_ =	shalt  }
0x53: {  	_ =	shalt  }
0x54: {  	_ =	shalt  }
0x55: {  	_ =	shalt  }
0x56: {  	_ =	shalt  }
0x57: {  	_ =	shalt  }
0x58: {  	_ =	shalt  }
0x59: {  	_ =	shalt  }
0x5a: {  	_ =	shalt  }
0x5b: {  	_ =	shalt  }
0x5c: {  	_ =	shalt  }
0x5d: {  	_ =	shalt  }
0x5e: {  	_ =	shalt  }
0x5f: {  	_ =	shalt  }
0x60: {  	_ =	shalt  }
0x61: {  	_ =	shalt  }
0x62: {  	_ =	shalt  }
0x63: {  	_ =	shalt  }
0x64: {  	_ =	shalt  }
0x65: {  	_ =	shalt  }
0x66: {  	_ =	shalt  }
0x67: {  	_ =	shalt  }
0x68: {  	_ =	shalt  }
0x69: {  	_ =	shalt  }
0x6a: {  	_ =	shalt  }
0x6b: {  	_ =	shalt  }
0x6c: {  	_ =	shalt  }
0x6d: {  	_ =	shalt  }
0x6e: {  	_ =	shalt  }
0x6f: {  	_ =	shalt  }
0x70: {  	_ =	shalt  }
0x71: {  	_ =	shalt  }
0x72: {  	_ =	shalt  }
0x73: {  	_ =	shalt  }
0x74: {  	_ =	shalt  }
0x75: {  	_ =	shalt  }
0x76: {  	_ =	shalt  }
0x77: {  	_ =	shalt  }
0x78: {  	_ =	shalt  }
0x79: {  	_ =	shalt  }
0x7a: {  	_ =	shalt  }
0x7b: {  	_ =	shalt  }
0x7c: {  	_ =	shalt  }
0x7d: {  	_ =	shalt  }
0x7e: {  	_ =	shalt  }
0x7f: {  	_ =	shalt  }
0x80: {  	_ =	shalt  }
0x81: {  	_ =	shalt  }
0x82: {  	_ =	shalt  }
0x83: {  	_ =	shalt  }
0x84: {  	_ =	shalt  }
0x85: {  	_ =	shalt  }
0x86: {  	_ =	shalt  }
0x87: {  	_ =	shalt  }
.Lfunc_end0:
.L_simem_size_0:
called_computation_lowered:
.L_overlay_start_0:
0x88: {  	s2 =	sld [smem:$0x3FD9]  }
0x89: {  	s3 =	sld [smem:$0x3FFE];
	_ =	sdelay $0x1  }
0x8a: {  	s1 =	srdreg.scid  }
0x8b: {  	s0 =	sand.u32 $0x1, s1  }
0x8c: {  	s14 =	sshll.u32 s0, $0xA;
	s2 =	sadd.s32 s3, s2  }
0x8d: {  	s2 =	sadd.s32 s2, s14  }
0x8e: {  	[smem:$0x3FC7] =	sst s2  }
0x8f: {  	_ = 	snop  }
0x90: {  	s2 =	sld [smem:$0x3FD0];
	_ =	sdelay $0x2  }
0x91: {  	s15 =	simm.s32 $0xA;
	s4 =	simm.s32 $0x10  }
0x92: {  	[smem:s4], [sflag:s15] =	dma.local [hbm:s2], $0x1  }
0x93: {  	_ =	swait.eq [sflag:s15], $0x1  }
0x94: {  	[sflag:s15] =	ssyncset.done $0x0  }
0x95: {  	s16 =	sld [smem:$0x10];
	[sflag:s15] =	ssyncadd.s32 $0xFFFFFFFF  }
0x96: {  	s17 =	sld [smem:$0x11];
	(tm) =	ssettm $0x1  }
0x97: {  	s18 =	sld [smem:$0x3FFB];
	_ =	sdelay $0x3  }
0x98: {  	_ =	strace s18  }
0x99: {  	s4 =	sld [smem:$0x3FFC];
	_ =	sdelay $0x3  }
0x9a: {  	_ =	strace s4  }
0x9b: {  	s4 =	sld [smem:$0x3FFD];
	_ =	sdelay $0x3  }
0x9c: {  	_ =	strace s4  }
0x9d: {  	_ =	strace $0x8FFFFFFF  }
0x9e: {  	s19 =	sld [smem:$0x3FDB];
	_ =	sdelay $0x1  }
0x9f: {  	s5 =	simm.s32 $_scs_section_size  }
0xa0: {  	s6 =	simm.s32 $_size__tile_overlayer_lowered;
	s7 =	simm.s32 $_tile_overlayer_lowered  }
0xa1: {  	s22 =	simm.s32 $0x1BFF;
	s21 =	sshll.u32 s7, $0x1;
	s4 =	sadd.s32 s5, s19  }
0xa2: {  	s8 =	simm.s32 $0x0;
	s20 =	sshll.u32 s6, $0x1;
	s6 =	sadd.s32 s21, s4  }
0xa3: {  	[timem:s8], [sflag:s22] =	dma.local [hbm:s6], s20  }
0xa4: {  	_ =	swait.ge [sflag:s22], s20  }
0xa5: {  	s5 =	ssub.s32 $0x0, s20;
	[sflag:s22] =	ssyncset.done $0x0  }
0xa6: {  	[sflag:s22] =	ssyncadd.s32 s5;
	_ =	sdelay $0x1  }
0xa7: {  	s23 =	simm.s32 $0x1B8B  }
0xa8: {  	_ =	swait.ge [sflag:s23], $0x1  }
0xa9: {  	[sflag:s23] =	ssyncset.done $0x0  }
0xaa: {  	s25 =	simm.s32 $0x1B8E;
	s24 =	sld [smem:$0x3FFE];
	[sflag:s23] =	ssyncadd.s32 $0xFFFFFFFF  }
0xab: {  	s26 =	simm.s32 $execute0_lowered;
	[smem:$0x3FD2] =	sst s25  }
0xac: {  	s6 =	sshll.u32 s26, $0x1;
	_ =	strace $0x80000046;
	[dreg:$0x1] =	wrdreg $0xFFFFFFFF  }
0xad: {  	s28 =	simm.s32 $_size_execute0_lowered;
	s4 =	sadd.s32 s4, s6;
	[dreg:$0x0] =	wrdreg $0x0  }
0xae: {  	s6 =	sshll.u32 s28, $0x1;
	[dreg:$0x2] =	wrdreg s4  }
0xaf: {  	[dreg:$0x3] =	wrdreg s6  }
0xb0: {  	[dreg:$0x4] =	wrdreg $0xC0  }
0xb1: {  	_ =	task [dreg:s8], $0x5FFFF  }
0xb2: {  	[dreg:$0x1] =	wrdreg $0xFFFFFFFF  }
0xb3: {  	[dreg:$0x0] =	wrdreg $0x60  }
0xb4: {  	[dreg:$0x2] =	wrdreg s24  }
0xb5: {  	[dreg:$0x3] =	wrdreg s17  }
0xb6: {  	[dreg:$0x4] =	wrdreg s16  }
0xb7: {  	[dreg:$0x5] =	wrdreg $0x9  }
0xb8: {  	_ =	task.clear_ibuf [dreg:s8], $0x6FFFF;
	_ =	strace $0x90000046  }
0xb9: {  	s29 =	simm.s32 $0x9;
	_ =	strace $0x80000048  }
0xba: {  	_ =	swait.ge [sflag:s29], $0x1  }
0xbb: {  	[sflag:s29] =	ssyncadd.s32 $0xFFFFFFFF  }
0xbc: {  	_ =	strace $0x90000048  }
0xbd: {  	_ =	sfence  }
0xbe: {  	s30 =	sld [smem:$0x0];
	_ =	sdelay $0x2  }
0xbf: {  	s31 =	sshll.u32 s1, $0xD;
	s1 =	sshrl.u32 s1, $0x2  }
0xc0: {  	s3 =	sand.u32 $0x4000, s31;
	s1 =	sadd.s32 s1, s30  }
0xc1: {  	s0 =	sor.u32 s3, s0;
	s1 =	sshll.u32 s1, $0x11  }
0xc2: {  	s0 =	sor.u32 s1, s0  }
0xc3: {  	s0 =	sadd.s32 $0x8F2B, s0  }
0xc4: {  	[sflag:s0] =	ssyncadd.remote.s32 $0x1  }
0xc5: {  	_ =	sfence.sel $0xFFFF  }
0xc6: {  	[dreg:$0x0] =	wrdreg $0xFFFFFFFF;
	(pc) =	sbr.abs _section_cstart, $3  }
0xc7: {  	[dreg:$0x1] =	wrdreg $0xFFFFFFFF  }
0xc8: {  	_ =	task.clear_ibuf [dreg:s8], $0x2FFFF;
	_ =	strace $0x9FFFFFFF  }
0xc9: {  	(tm) =	ssettm $0x7FFFFFFF  }
tec
execute0_lowered:
.L_overlay_start_1:
0x0: {  	(tag) =	ssettag $0x1  }
0x1: {  	s5 =	rddreg [dreg:$0x0]  }
0x2: {  	s1 =	rddreg [dreg:$0x1]  }
0x3: {  	s2 =	rddreg [dreg:$0x2];
	s4 =	srdreg.scid  }
0x4: {  	s0 =	rddreg [dreg:$0x3];
	s3 =	simm.s32 $0x0;
	s9 =	simm.s32 $0xA100  }
0x5: {  	s10 =	simm.s32 $0xE180;
	s11 =	simm.s32 $0x12200;
	s12 =	simm.s32 $0x12280  }
0x6: {  	s13 =	simm.s32 $0x2000;
	s14 =	simm.s32 $0x12300;
	s15 =	simm.s32 $0x6080  }
.Ltmp0:
0x7: {  	s16 =	simm.s32 $0x0;
	s6 =	sand.u32 $0x1, s4;
	(pc) =	sbr.rel .LBB2_1-.Ltmp0, $4  }
0x8: {  	[smem:$0x7FF] =	sst s3;
	s4 =	stileid.u32;
	s7 =	ssub.s32 $0x2, s6  }
0x9: {  	s5 =	sadd.s32 $0xC00, s5;
	_ =	strace $0x80000047;
	s8 =	sshrl.u32 s7, $0x1  }
0xa: {  	v0 =	vlaneseq.u32;
	s6 =	sshll.u32 s6, $0x5;
	s31 =	sshll.u32 s4, $0x1;
	s7 =	ssub.s32 s7, s8  }
0xb: {  	v1 =	vimm.s32 $0x0;
	v2 =	vimm.s32 $0x80000000;
	v3 =	vimm.s32 $0x7FFFFFFF;
	s6 =	sor.u32 s31, s6;
	s8 =	simm.s32 $0x1;
	s7 =	smax.u32 s7, $0x1  }
.LBB2_83:
0xc: {  	s16 =	sadd.s32 $0x1, s16  }
0xd: {  	p0 =	sne.s32 s16, s7  }
.Ltmp1:
0xe: {  	_ = 	snop;
	(pc) =	sbr.rel @!p0 .LBB2_84-.Ltmp1, $1  }
0xf: {  	_ =	sdelay $0x3  }
.LBB2_1:
.Ltmp2:
0x10: {  	(pc) =	sbr.rel .LBB2_2-.Ltmp2, $2  }
0x11: {  	_ =	sdelay $0x2  }
0x12: {  	p1 =	por $0x1, $0x1;
	s17 =	simm.s32 $0x0  }
.LBB2_76:
0x13: {  	s21 =	smov.u32 s18  }
.LBB2_81:
0x14: {  	s20 =	sadd.s32 @p1 $0x10, s21  }
0x15: {  	v5 =	vld [tilespmem:s19+$0x0];
	v4 =	vadd.s32 v6, v4;
	s18 =	smov.u32 @p1 s20  }
0x16: {  	v63 =	vld [tilespmem:s18+$0x0];
	_ =	sdelay $0x3  }
0x17: {  	[tilespmem:v4+s11+$0x0] =	vst.idx.msk vm1, v5  }
0x18: {  	[tilespmem:v4+s12+$0x0] =	vst.idx.msk vm1, v63  }
.LBB2_82:
0x19: {  	v4 =	vld [tilespmem:$0x12200]  }
0x1a: {  	v5 =	vld [tilespmem:$0x12210]  }
0x1b: {  	v6 =	vld [tilespmem:$0x12220]  }
0x1c: {  	v7 =	vld [tilespmem:$0x12230]  }
0x1d: {  	v8 =	vld [tilespmem:$0x12240]  }
0x1e: {  	v9 =	vld [tilespmem:$0x12250];
	vm0 =	vlt.s32 v4, $0x0  }
0x1f: {  	v11 =	vld [tilespmem:$0x12260];
	vm9 =	vlt.s32 v5, $0x0;
	v10 =	vsel vm0, $0x80000000, v3  }
0x20: {  	v12 =	vld [tilespmem:$0x12270];
	vm10 =	vlt.s32 v6, $0x0;
	v63 =	vsel vm9, $0x80000000, v3;
	v4 =	vxor.u32 v4, v10  }
0x21: {  	vm11 =	vlt.s32 v7, $0x0;
	[tilespmem:$0x12300] =	vst v4;
	v4 =	vxor.u32 v5, v63;
	v5 =	vsel vm10, $0x80000000, v3  }
0x22: {  	vm12 =	vlt.s32 v8, $0x0;
	[tilespmem:$0x12310] =	vst v4;
	v4 =	vxor.u32 v6, v5;
	v5 =	vsel vm11, $0x80000000, v3  }
0x23: {  	vm13 =	vlt.s32 v9, $0x0;
	[tilespmem:$0x12320] =	vst v4;
	v4 =	vxor.u32 v7, v5;
	v5 =	vsel vm12, $0x80000000, v3  }
0x24: {  	vm14 =	vlt.s32 v11, $0x0;
	[tilespmem:$0x12330] =	vst v4;
	v4 =	vxor.u32 v8, v5;
	v5 =	vsel vm13, $0x80000000, v3  }
0x25: {  	vm15 =	vlt.s32 v12, $0x0;
	[tilespmem:$0x12340] =	vst v4;
	v4 =	vxor.u32 v9, v5;
	v5 =	vsel vm14, $0x80000000, v3  }
0x26: {  	[tilespmem:$0x12350] =	vst v4;
	v4 =	vxor.u32 v11, v5;
	v5 =	vsel vm15, $0x80000000, v3  }
0x27: {  	s18 =	sshll.u32 s17, $0x4;
	[tilespmem:$0x12360] =	vst v4;
	v4 =	vxor.u32 v12, v5  }
0x28: {  	s17 =	sadd.s32 s1, s18;
	[tilespmem:$0x12370] =	vst v4  }
0x29: {  	[hbm4b:s17+s3] =	stream.linear.scatter [tilespmem:s14], [sflag:$0x1], $0x80, $0x38;
	[tilespmem:$0x12380] =	vst v63  }
0x2a: {  	s17 =	simm.s32 $0x1  }
0x2b: {  	_ =	swait.ge [sflag:s17], $0x80  }
0x2c: {  	[sflag:s17] =	ssyncset.done $0x0  }
.Ltmp3:
0x2d: {  	s18 =	sadd.s32 s2, s18;
	[sflag:s17] =	ssyncadd.s32 $0xFFFFFF80;
	(pc) =	sbr.rel @!p0 .LBB2_83-.Ltmp3, $4  }
0x2e: {  	[hbm4b:s18+s3] =	stream.linear.scatter [tilespmem:s12], [sflag:$0x1], $0x80, $0x38;
	[tilespmem:$0x12380] =	vst v63  }
0x2f: {  	_ =	swait.ge [sflag:s17], $0x80  }
0x30: {  	[sflag:s17] =	ssyncset.done $0x0  }
0x31: {  	p1 =	por $0x0, $0x0;
	[sflag:s17] =	ssyncadd.s32 $0xFFFFFF80  }
.LBB2_2:
0x32: {  	s17 =	sor.u32 s6, s17  }
0x33: {  	s18 =	sshll.u32 s17, $0xA  }
0x34: {  	s19 =	simm.s32 $0x0;
	s18 =	sadd.s32 s5, s18  }
0x35: {  	[tilespmem:s19], [sflag:$0x1] =	stream.linear.gather [hbm4b:s18+s19], $0x2000, $0x38;
	[tilespmem:$0x12380] =	vst v63  }
0x36: {  	_ =	swait.ge [sflag:s8], $0x2000  }
0x37: {  	[sflag:s8] =	ssyncset.done $0x0  }
0x38: {  	[sflag:s8] =	ssyncadd.s32 $0xFFFFE000  }
0x39: {  	v7 =	vld [tilespmem:s19+$0x0];
	_ =	sdelay $0x1  }
0x3a: {  	p0 =	por p1, p1;
	v6 =	vimm.s32 $0x0;
	v5 =	vimm.s32 $0x0;
	v4 =	vimm.s32 $0x0;
	s20 =	simm.s32 $0x0;
	s18 =	simm.s32 $0x10  }
.LBB2_3:
0x3b: {  	p1 =	sne.s32 s18, $0x1FF0;
	_ =	sdelay $0x1  }
0x3c: {  	v8 =	vshra.s32 v7, $0x1F  }
0x3d: {  	v8 =	vor.u32 $0x80000000, v8  }
0x3e: {  	v7 =	vxor.u32 v7, v8  }
0x3f: {  	v8 =	vshrl.u32 v7, $0x1F  }
0x40: {  	vm0 =	vge.s32 v7, $0x0;
	(xrf0) =	vadd.scan.msk.s32 $0xffff, v8  }
0x41: {  	v8 =	vsel vm0, $0x1, v1;
	v9 =	vmpcnt.ones.xlane vm0  }
0x42: {  	(xrf0) =	vadd.scan.msk.s32 $0xffff, v8  }
0x43: {  	v6 =	vadd.s32 v6, v9;
	_ =	sdelay $0x2  }
0x44: {  	v8, _, _ =	vpop (xrf0)  }
0x45: {  	vm1 =	vlt.s32 v7, $0x0;
	v8 =	vadd.s32 v8, v5  }
0x46: {  	v9 =	vmpcnt.ones.xlane vm1;
	v8 =	vadd.s32 $0xFFFFFFFF, v8;
	v10, _, _ =	vpop (xrf0)  }
0x47: {  	v10 =	vadd.s32 v10, v4;
	v4 =	vmov v6  }
0x48: {  	v5 =	vadd.s32 v5, v9;
	v10 =	vadd.s32 $0x1FFF, v10;
	_ =	sdelay $0x2  }
0x49: {  	v9 =	vor.u32 s19, v0;
	s19 =	smov.u32 s18;
	[tilespmem:v8+s9+$0x0] =	vst.idx.msk vm1, v7  }
0x4a: {  	[tilespmem:v8+s10+$0x0] =	vst.idx.msk vm1, v9  }
.Ltmp4:
0x4b: {  	[tilespmem:v10+s9+$0x0] =	vst.idx.msk vm0, v7;
	(pc) =	sbr.rel @p1 .LBB2_3-.Ltmp4, $3  }
0x4c: {  	s20 =	sadd.s32 $0x10, s20;
	[tilespmem:v10+s10+$0x0] =	vst.idx.msk vm0, v9  }
0x4d: {  	v7 =	vld [tilespmem:s20+$0x0];
	_ =	sdelay $0x1  }
0x4e: {  	s18 =	sadd.s32 $0x10, s18  }
0x4f: {  	_ =	sdelay $0x1  }
0x50: {  	v8 =	vshra.s32 v7, $0x1F  }
0x51: {  	v8 =	vor.u32 $0x80000000, v8  }
0x52: {  	v7 =	vxor.u32 v7, v8  }
0x53: {  	vm1 =	vlt.s32 v7, $0x0  }
0x54: {  	v59 =	vmpcnt.ones.xlane vm1  }
0x55: {  	v9 =	vshrl.u32 v7, $0x1F;
	vm0 =	vge.s32 v7, $0x0  }
0x56: {  	(xrf0) =	vadd.scan.msk.s32 $0xffff, v9;
	v60 =	vsel vm0, $0x1, v1;
	v8 =	vadd.s32 v5, v59  }
0x57: {  	(xrf0) =	vadd.scan.msk.s32 $0xffff, v60;
	v8 =	vxor.u32 $0x80000000, v8  }
0x58: {  	(xrf0) =	vmax.scan.msk.u32 $0xffff, v8;
	_ =	sdelay $0x3  }
0x59: {  	v62, _, _ =	vpop (xrf0)  }
0x5a: {  	v63, _, _ =	vpop (xrf0)  }
0x5b: {  	v10, _, _ =	vpop (xrf0)  }
0x5c: {  	v61 =	vmpcnt.ones.xlane vm0;
	(v2sf) =	vpush v10, $0xF;
	_ =	sdelay $0x1  }
0x5d: {  	v6 =	vadd.s32 v6, v61  }
0x5e: {  	v6 =	vxor.u32 $0x80000000, v6  }
0x5f: {  	(xrf0) =	vmax.scan.msk.u32 $0xffff, v6;
	_ =	sdelay $0x5  }
0x60: {  	v6, _, _ =	vpop (xrf0)  }
0x61: {  	(v2sf) =	vpush v6, $0xF;
	_ =	sdelay $0x3  }
0x62: {  	s18 =	spop (v2sf)  }
0x63: {  	s22 =	sxor.u32 $0x80000000, s18  }
0x64: {  	v5 =	vadd.s32 v62, v5;
	p1 =	slt.s32 s22, $0x80;
	s18 =	smov.u32 s22  }
0x65: {  	v5 =	vadd.s32 $0xFFFFFFFF, v5;
	s18 =	simm.s32 @!p1 $0x0  }
0x66: {  	v4 =	vadd.s32 v63, v4;
	s31 =	sadd.s32 $0xF, s18  }
0x67: {  	v4 =	vadd.s32 $0x1FFF, v4;
	s23 =	sshra.s32 s31, $0x4  }
0x68: {  	p1 =	slt.s32 s23, $0x1  }
.Ltmp5:
0x69: {  	_ = 	snop;
	(pc) =	sbr.rel @p1 .LBB2_12-.Ltmp5, $4  }
0x6a: {  	v6 =	vor.u32 s19, v0;
	[tilespmem:v5+s9+$0x0] =	vst.idx.msk vm1, v7  }
0x6b: {  	[tilespmem:v5+s10+$0x0] =	vst.idx.msk vm1, v6  }
0x6c: {  	[tilespmem:v4+s9+$0x0] =	vst.idx.msk vm0, v7  }
0x6d: {  	[tilespmem:v4+s10+$0x0] =	vst.idx.msk vm0, v6;
	s19 =	spop (v2sf);
	v4 =	vmov s18  }
0x6e: {  	p2 =	sne.s32 s23, $0x1  }
.Ltmp6:
0x6f: {  	_ = 	snop;
	(pc) =	sbr.rel @!p2 .LBB2_6-.Ltmp6, $4  }
0x70: {  	_ = 	snop  }
0x71: {  	s20 =	simm.s32 $0x0  }
0x72: {  	s21 =	simm.s32 $0xA100;
	v6 =	vor.u32 s20, v0  }
0x73: {  	s23 =	sadd.s32 $0xFFFFFFFF, s23;
	p1 =	por $0x0, $0x0;
	s20 =	simm.s32 $0xE180;
	vm1 =	vlt.s32 v6, v4  }
0x74: {  	v7 =	vld [tilespmem:s21+$0x0]  }
0x75: {  	v8 =	vld [tilespmem:s20+$0x0];
	p2 =	sne.s32 s23, $0x1  }
.Ltmp7:
0x76: {  	_ = 	snop;
	(pc) =	sbr.rel @!p2 .LBB2_8-.Ltmp7, $4  }
0x77: {  	_ = 	snop  }
0x78: {  	s24 =	simm.s32 $0x10  }
0x79: {  	s25 =	sadd.s32 $0xFFFFFFFF, s23;
	v5 =	vor.u32 s24, v0;
	[tilespmem:v6+s11+$0x0] =	vst.idx.msk vm1, v7  }
0x7a: {  	s21 =	simm.s32 $0xA110;
	p1 =	por $0x1, $0x1;
	s23 =	simm.s32 $0xE180;
	vm0 =	vlt.s32 v5, v4;
	[tilespmem:v6+s12+$0x0] =	vst.idx.msk vm1, v8  }
.LBB2_9:
0x7b: {  	p2 =	sne.s32 s25, $0x1;
	v6 =	vld [tilespmem:s21+$0x0];
	s23 =	sadd.s32 $0x10, s23  }
0x7c: {  	v7 =	vld [tilespmem:s23+$0x0]  }
.Ltmp8:
0x7d: {  	(pc) =	sbr.rel @p2 .LBB2_9-.Ltmp8, $4  }
0x7e: {  	_ = 	snop  }
0x7f: {  	s24 =	sadd.s32 $0x10, s24  }
0x80: {  	v8 =	vor.u32 s24, v0;
	[tilespmem:v5+s11+$0x0] =	vst.idx.msk vm0, v6  }
0x81: {  	s25 =	sadd.s32 $0xFFFFFFFF, s25;
	s21 =	sadd.s32 $0x10, s21;
	[tilespmem:v5+s12+$0x0] =	vst.idx.msk vm0, v7;
	vm0 =	vlt.s32 v8, v4;
	v5 =	vmov v8  }
0x82: {  	vm1 =	vmmov vm0;
	v6 =	vmov v5  }
.LBB2_11:
0x83: {  	s23 =	sadd.s32 @p1 $0x10, s23  }
0x84: {  	v5 =	vld [tilespmem:s21+$0x0];
	s20 =	smov.u32 @p1 s23  }
0x85: {  	v7 =	vld [tilespmem:s20+$0x0];
	_ =	sdelay $0x3  }
0x86: {  	[tilespmem:v6+s11+$0x0] =	vst.idx.msk vm1, v5  }
0x87: {  	[tilespmem:v6+s12+$0x0] =	vst.idx.msk vm1, v7  }
.LBB2_12:
0x88: {  	s21 =	sxor.u32 $0x80000000, s19;
	p2 =	sgt.s32 s22, $0x7F;
	s20 =	ssub.s32 $0x80, s22  }
0x89: {  	s21 =	smov.u32 @p2 s22;
	s20 =	simm.s32 @p2 $0x80  }
0x8a: {  	p1 =	seq.s32 s21, s20;
	s22 =	smov.u32 s20  }
0x8b: {  	s22 =	simm.s32 @!p1 $0x0  }
0x8c: {  	s31 =	sadd.s32 $0xF, s22  }
0x8d: {  	s24 =	sshra.s32 s31, $0x4  }
0x8e: {  	p3 =	slt.s32 s24, $0x1  }
.Ltmp9:
0x8f: {  	_ = 	snop;
	(pc) =	sbr.rel @p3 .LBB2_18-.Ltmp9, $3  }
0x90: {  	_ =	sdelay $0x1  }
0x91: {  	s19 =	simm.s32 $0x0  }
0x92: {  	s19 =	simm.s32 @!p2 $0x2000  }
0x93: {  	p3 =	sne.s32 s24, $0x1  }
.Ltmp10:
0x94: {  	_ = 	snop;
	(pc) =	sbr.rel @!p3 .LBB2_14-.Ltmp10, $4  }
0x95: {  	_ = 	snop  }
0x96: {  	v5 =	vmov s22  }
0x97: {  	s23 =	sadd.s32 $0x0, s19;
	s26 =	simm.s32 $0x0;
	p2 =	por $0x0, $0x0;
	v5 =	vbroadcast v5, $0x0  }
0x98: {  	s23 =	sand.u32 $0xFFFFFF80, s23;
	s25 =	sand.u32 $0x70, s26;
	v7 =	vor.u32 s26, v0;
	s26 =	sadd.s32 $0xFFFFFFFF, s24  }
0x99: {  	s23 =	sor.u32 s25, s23;
	vm0 =	vlt.s32 v7, v5  }
0x9a: {  	v6 =	vadd.s32 v4, v7;
	p3 =	sne.s32 s26, $0x1;
	v9 =	vld [tilespmem:s23+$0xA100]  }
.Ltmp11:
0x9b: {  	v8 =	vld [tilespmem:s23+$0xE180];
	(pc) =	sbr.rel @!p3 .LBB2_17-.Ltmp11, $3  }
0x9c: {  	_ =	sdelay $0x1  }
0x9d: {  	s31 =	sadd.s32 $0x10, s19;
	s24 =	simm.s32 $0x10;
	s26 =	sadd.s32 $0xFFFFFFFF, s26  }
0x9e: {  	p2 =	por $0x1, $0x1;
	s23 =	sand.u32 $0xFFFFFF80, s31;
	s25 =	sand.u32 $0x70, s24;
	v7 =	vor.u32 s24, v0;
	[tilespmem:v6+s11+$0x0] =	vst.idx.msk vm0, v9  }
.LBB2_16:
0x9f: {  	p3 =	sne.s32 s26, $0x1;
	s23 =	sor.u32 s25, s23;
	[tilespmem:v6+s12+$0x0] =	vst.idx.msk vm0, v8;
	vm0 =	vlt.s32 v7, v5  }
0xa0: {  	v6 =	vadd.s32 v4, v7;
	v9 =	vld [tilespmem:s23+$0xA100]  }
.Ltmp12:
0xa1: {  	v8 =	vld [tilespmem:s23+$0xE180];
	(pc) =	sbr.rel @p3 .LBB2_16-.Ltmp12, $4  }
0xa2: {  	_ = 	snop  }
0xa3: {  	s24 =	sadd.s32 $0x10, s24  }
0xa4: {  	s23 =	sadd.s32 s24, s19  }
0xa5: {  	s26 =	sadd.s32 $0xFFFFFFFF, s26;
	s25 =	sand.u32 $0x70, s24;
	v7 =	vor.u32 s24, v0;
	s23 =	sand.u32 $0xFFFFFF80, s23;
	[tilespmem:v6+s11+$0x0] =	vst.idx.msk vm0, v9  }
.LBB2_17:
0xa6: {  	_ =	sdelay $0x4  }
0xa7: {  	s23 =	sor.u32 s25, s23;
	vm1 =	vlt.s32 v7, v5;
	[tilespmem:v6+s12+$0x0] =	vst.idx.msk @p2 vm0, v8  }
0xa8: {  	v4 =	vadd.s32 v4, v7;
	v5 =	vld [tilespmem:s23+$0xA100]  }
0xa9: {  	v6 =	vld [tilespmem:s23+$0xE180];
	_ =	sdelay $0x3  }
0xaa: {  	[tilespmem:v4+s11+$0x0] =	vst.idx.msk vm1, v5  }
0xab: {  	[tilespmem:v4+s12+$0x0] =	vst.idx.msk vm1, v6  }
.LBB2_18:
.Ltmp13:
0xac: {  	(pc) =	sbr.rel .LBB2_19-.Ltmp13, $3  }
0xad: {  	_ =	sdelay $0x1  }
0xae: {  	s18 =	sadd.s32 s18, s22  }
0xaf: {  	v4 =	vmov s18;
	s18 =	simm.s32 $0x0  }
.LBB2_55:
0xb0: {  	s25 =	smov.u32 s22  }
.LBB2_60:
0xb1: {  	s24 =	sadd.s32 @p2 $0x10, s25  }
0xb2: {  	v7 =	vld [tilespmem:s23+$0x0];
	v6 =	vadd.s32 v4, v6;
	s22 =	smov.u32 @p2 s24  }
0xb3: {  	v8 =	vld [tilespmem:s22+$0x0];
	_ =	sdelay $0x3  }
0xb4: {  	[tilespmem:v6+s11+$0x0] =	vst.idx.msk vm1, v7  }
0xb5: {  	[tilespmem:v6+s12+$0x0] =	vst.idx.msk vm1, v8  }
.LBB2_61:
0xb6: {  	s18 =	sadd.s32 $0x1, s18  }
0xb7: {  	p2 =	sne.s32 s18, $0xF  }
.Ltmp14:
0xb8: {  	_ = 	snop;
	(pc) =	sbr.rel @!p2 .LBB2_62-.Ltmp14, $2  }
0xb9: {  	_ =	sdelay $0x2  }
0xba: {  	v4 =	vadd.s32 v4, v5;
	p1 =	por p1, p3  }
.LBB2_19:
0xbb: {  	s22 =	sadd.s32 $0xF, s21  }
0xbc: {  	s22 =	sshra.s32 s22, $0x4  }
0xbd: {  	p2 =	slt.s32 @!p1 s22, $0x1  }
0xbe: {  	p2 =	por p1, p2  }
.Ltmp15:
0xbf: {  	_ = 	snop;
	(pc) =	sbr.rel @p2 .LBB2_20-.Ltmp15, $2  }
0xc0: {  	_ =	sdelay $0x2  }
0xc1: {  	s23 =	sshll.u32 s18, $0x1  }
0xc2: {  	s24 =	sshll.u32 s19, $0x2  }
0xc3: {  	s25 =	sshra.s32 s24, $0x2  }
0xc4: {  	s28 =	sadd.s32 $0xA100, s25  }
0xc5: {  	v7 =	vld [tilespmem:s28+$0x0];
	_ =	sdelay $0x2  }
0xc6: {  	s31 =	ssub.s32 $0x1E, s23  }
0xc7: {  	v5 =	vmov s31  }
0xc8: {  	s24 =	simm.s32 $0x0;
	v8 =	vshrl.u32 v7, v5  }
0xc9: {  	v6 =	vmov s21;
	v9 =	vor.u32 s24, v0;
	v8 =	vand.u32 $0x1, v8  }
0xca: {  	vm0 =	vlt.s32 v9, v6;
	vm1 =	veq.s32 v8, $0x1  }
0xcb: {  	vm1 =	vmand vm0, vm1  }
0xcc: {  	vm2 =	veq.s32 v8, $0x0;
	v8 =	vsel vm1, $0x1, v1  }
0xcd: {  	vm0 =	vmand vm0, vm2;
	(xrf0) =	vadd.scan.msk.s32 $0xffff, v8  }
0xce: {  	v8 =	vsel vm0, $0x1, v1  }
0xcf: {  	(xrf0) =	vadd.scan.msk.s32 $0xffff, v8;
	_ =	sdelay $0x3  }
0xd0: {  	v8 =	vimm.s32 $0x0;
	v9, _, _ =	vpop (xrf0)  }
0xd1: {  	v9 =	vadd.s32 v9, v8  }
0xd2: {  	s25 =	sadd.s32 $0xE180, s25;
	v10, _, _ =	vpop (xrf0);
	v9 =	vadd.s32 $0xFFFFFFFF, v9  }
0xd3: {  	v11 =	vld [tilespmem:s25+$0x0];
	v10 =	vadd.s32 v10, v8  }
0xd4: {  	v10 =	vadd.s32 $0x1FFF, v10  }
0xd5: {  	p2 =	sgt.s32 s22, $0x1  }
.Ltmp16:
0xd6: {  	_ = 	snop;
	(pc) =	sbr.rel @!p2 .LBB2_23-.Ltmp16, $4  }
0xd7: {  	[tilespmem:v9+s13+$0x0] =	vst.idx.msk vm1, v7  }
0xd8: {  	v12 =	vmpcnt.ones.xlane vm1;
	v13 =	vmpcnt.ones.xlane vm0;
	[tilespmem:v9+s15+$0x0] =	vst.idx.msk vm1, v11  }
0xd9: {  	[tilespmem:v10+s13+$0x0] =	vst.idx.msk vm0, v7  }
0xda: {  	s26 =	simm.s32 $0x1;
	s28 =	sadd.s32 $0x10, s28;
	v7 =	vadd.s32 v8, v12;
	v8 =	vadd.s32 v8, v13;
	[tilespmem:v10+s15+$0x0] =	vst.idx.msk vm0, v11  }
.LBB2_22:
0xdb: {  	v9 =	vld [tilespmem:s28+$0x0];
	s25 =	sadd.s32 $0x10, s25;
	v10 =	vmov v7;
	v11 =	vmov v8  }
0xdc: {  	v12 =	vld [tilespmem:s25+$0x0];
	_ =	sdelay $0x1  }
0xdd: {  	s26 =	sadd.s32 $0x1, s26  }
0xde: {  	p2 =	sgt.s32 s22, s26  }
0xdf: {  	s24 =	sadd.s32 $0x10, s24;
	v13 =	vshrl.u32 v9, v5  }
0xe0: {  	v14 =	vor.u32 s24, v0;
	v13 =	vand.u32 $0x1, v13  }
0xe1: {  	vm1 =	vlt.s32 v14, v6;
	vm0 =	veq.s32 v13, $0x1  }
0xe2: {  	vm0 =	vmand vm1, vm0  }
0xe3: {  	vm2 =	veq.s32 v13, $0x0;
	v13 =	vsel vm0, $0x1, v1;
	v14 =	vmpcnt.ones.xlane vm0  }
0xe4: {  	vm1 =	vmand vm1, vm2;
	(xrf0) =	vadd.scan.msk.s32 $0xffff, v13  }
0xe5: {  	v13 =	vsel vm1, $0x1, v1;
	v7 =	vadd.s32 v7, v14;
	v14 =	vmpcnt.ones.xlane vm1  }
0xe6: {  	(xrf0) =	vadd.scan.msk.s32 $0xffff, v13  }
0xe7: {  	v8 =	vadd.s32 v8, v14;
	_ =	sdelay $0x2  }
0xe8: {  	v13, _, _ =	vpop (xrf0)  }
0xe9: {  	v10 =	vadd.s32 v13, v10  }
0xea: {  	v10 =	vadd.s32 $0xFFFFFFFF, v10;
	v13, _, _ =	vpop (xrf0)  }
0xeb: {  	v11 =	vadd.s32 v13, v11  }
0xec: {  	v11 =	vadd.s32 $0x1FFF, v11;
	_ =	sdelay $0x1  }
.Ltmp17:
0xed: {  	(pc) =	sbr.rel @p2 .LBB2_22-.Ltmp17, $4  }
0xee: {  	[tilespmem:v10+s13+$0x0] =	vst.idx.msk vm0, v9  }
0xef: {  	[tilespmem:v10+s15+$0x0] =	vst.idx.msk vm0, v12  }
0xf0: {  	[tilespmem:v11+s13+$0x0] =	vst.idx.msk vm1, v9  }
0xf1: {  	s28 =	sadd.s32 $0x10, s28;
	[tilespmem:v11+s15+$0x0] =	vst.idx.msk vm1, v12  }
.LBB2_23:
.Ltmp18:
0xf2: {  	(pc) =	sbr.rel .LBB2_24-.Ltmp18, $2  }
0xf3: {  	_ =	sdelay $0x2  }
0xf4: {  	v6 =	vxor.u32 $0x80000000, v7;
	v5 =	vxor.u32 $0x80000000, v8  }
.LBB2_20:
0xf5: {  	v6 =	vpsel p1, $0x80000000, v2;
	v5 =	vpsel p1, $0x80000000, v2  }
.LBB2_24:
0xf6: {  	(xrf0) =	vmax.scan.msk.u32 $0xffff, v6;
	_ =	sdelay $0x5  }
0xf7: {  	v6, _, _ =	vpop (xrf0)  }
0xf8: {  	(v2sf) =	vpush v6, $0xF;
	_ =	sdelay $0x4  }
0xf9: {  	(xrf0) =	vmax.scan.msk.u32 $0xffff, v5;
	_ =	sdelay $0x5  }
0xfa: {  	v5, _, _ =	vpop (xrf0)  }
0xfb: {  	(v2sf) =	vpush v5, $0xF;
	_ =	sdelay $0x2  }
0xfc: {  	s22 =	spop (v2sf)  }
0xfd: {  	s22 =	sxor.u32 $0x80000000, s22  }
0xfe: {  	p2 =	sge.s32 s22, s20;
	s25 =	smov.u32 s22  }
0xff: {  	s25 =	simm.s32 @p2 $0x0  }
0x100: {  	s25 =	simm.s32 @p1 $0x0  }
0x101: {  	s24 =	sadd.s32 $0xF, s25  }
0x102: {  	s29 =	sshra.s32 s24, $0x4  }
0x103: {  	p3 =	slt.s32 s29, $0x1  }
.Ltmp19:
0x104: {  	_ = 	snop;
	(pc) =	sbr.rel @p3 .LBB2_32-.Ltmp19, $2  }
0x105: {  	_ =	sdelay $0x2  }
0x106: {  	v5 =	vmov s25;
	s24 =	spop (v2sf)  }
0x107: {  	p4 =	sne.s32 s29, $0x1  }
.Ltmp20:
0x108: {  	_ = 	snop;
	(pc) =	sbr.rel @!p4 .LBB2_26-.Ltmp20, $4  }
0x109: {  	_ = 	snop  }
0x10a: {  	s26 =	simm.s32 $0x0  }
0x10b: {  	s28 =	simm.s32 $0x2000;
	v6 =	vor.u32 s26, v0  }
0x10c: {  	s30 =	sadd.s32 $0xFFFFFFFF, s29;
	p3 =	por $0x0, $0x0;
	s26 =	simm.s32 $0x6080;
	vm1 =	vlt.s32 v6, v5  }
0x10d: {  	v7 =	vld [tilespmem:s28+$0x0];
	v8 =	vadd.s32 v4, v6  }
0x10e: {  	v9 =	vld [tilespmem:s26+$0x0];
	p4 =	sne.s32 s30, $0x1  }
.Ltmp21:
0x10f: {  	_ = 	snop;
	(pc) =	sbr.rel @!p4 .LBB2_28-.Ltmp21, $4  }
0x110: {  	_ = 	snop  }
0x111: {  	s29 =	simm.s32 $0x10  }
0x112: {  	s31 =	sadd.s32 $0xFFFFFFFF, s30;
	v6 =	vor.u32 s29, v0;
	[tilespmem:v8+s11+$0x0] =	vst.idx.msk vm1, v7  }
0x113: {  	s28 =	simm.s32 $0x2010;
	p3 =	por $0x1, $0x1;
	s30 =	simm.s32 $0x6080;
	vm0 =	vlt.s32 v6, v5;
	[tilespmem:v8+s12+$0x0] =	vst.idx.msk vm1, v9  }
.LBB2_29:
0x114: {  	p4 =	sne.s32 s31, $0x1;
	v7 =	vld [tilespmem:s28+$0x0];
	v8 =	vadd.s32 v4, v6;
	s30 =	sadd.s32 $0x10, s30  }
0x115: {  	v9 =	vld [tilespmem:s30+$0x0]  }
.Ltmp22:
0x116: {  	(pc) =	sbr.rel @p4 .LBB2_29-.Ltmp22, $4  }
0x117: {  	_ = 	snop  }
0x118: {  	s29 =	sadd.s32 $0x10, s29  }
0x119: {  	v6 =	vor.u32 s29, v0;
	[tilespmem:v8+s11+$0x0] =	vst.idx.msk vm0, v7  }
0x11a: {  	s31 =	sadd.s32 $0xFFFFFFFF, s31;
	s28 =	sadd.s32 $0x10, s28;
	[tilespmem:v8+s12+$0x0] =	vst.idx.msk vm0, v9;
	vm0 =	vlt.s32 v6, v5  }
0x11b: {  	vm1 =	vmmov vm0  }
.LBB2_31:
0x11c: {  	s29 =	sadd.s32 @p3 $0x10, s30  }
0x11d: {  	v7 =	vld [tilespmem:s28+$0x0];
	v6 =	vadd.s32 v4, v6;
	s26 =	smov.u32 @p3 s29  }
0x11e: {  	v8 =	vld [tilespmem:s26+$0x0];
	_ =	sdelay $0x3  }
0x11f: {  	[tilespmem:v6+s11+$0x0] =	vst.idx.msk vm1, v7  }
0x120: {  	[tilespmem:v6+s12+$0x0] =	vst.idx.msk vm1, v8  }
.LBB2_32:
0x121: {  	s24 =	sxor.u32 $0x80000000, s24  }
0x122: {  	s20 =	ssub.s32 s20, s25;
	s24 =	smov.u32 @p2 s22  }
0x123: {  	p3 =	por !p1, !p1;
	s24 =	smov.u32 @p1 s21;
	s21 =	smov.u32 s20  }
0x124: {  	s21 =	simm.s32 @!p3 $0x0;
	p3 =	seq.s32 s24, s20  }
0x125: {  	s21 =	simm.s32 @!p3 $0x0  }
0x126: {  	s31 =	sadd.s32 $0xF, s21  }
0x127: {  	s22 =	simm.s32 $0x0;
	s26 =	sshra.s32 s31, $0x4  }
0x128: {  	s22 =	simm.s32 @!p2 $0x2000;
	p2 =	slt.s32 s26, $0x1  }
.Ltmp23:
0x129: {  	_ = 	snop;
	(pc) =	sbr.rel @p2 .LBB2_40-.Ltmp23, $4  }
0x12a: {  	_ = 	snop  }
0x12b: {  	s22 =	smov.u32 @p1 s19  }
0x12c: {  	s19 =	sshll.u32 s22, $0x2  }
0x12d: {  	v4 =	vadd.s32 v4, v5;
	v5 =	vmov s21;
	s25 =	sshra.s32 s19, $0x2  }
0x12e: {  	p4 =	sne.s32 s26, $0x1  }
.Ltmp24:
0x12f: {  	_ = 	snop;
	(pc) =	sbr.rel @!p4 .LBB2_34-.Ltmp24, $4  }
0x130: {  	_ = 	snop  }
0x131: {  	s19 =	simm.s32 $0x0  }
0x132: {  	s21 =	sadd.s32 $0x2000, s25;
	v6 =	vor.u32 s19, v0  }
0x133: {  	s28 =	sadd.s32 $0xFFFFFFFF, s26;
	p2 =	por $0x0, $0x0;
	s19 =	sadd.s32 $0x6080, s25;
	vm1 =	vlt.s32 v6, v5  }
0x134: {  	v7 =	vld [tilespmem:s21+$0x0];
	v8 =	vadd.s32 v4, v6  }
0x135: {  	v9 =	vld [tilespmem:s19+$0x0];
	p4 =	sne.s32 s28, $0x1  }
.Ltmp25:
0x136: {  	_ = 	snop;
	(pc) =	sbr.rel @!p4 .LBB2_36-.Ltmp25, $4  }
0x137: {  	_ = 	snop  }
0x138: {  	s26 =	simm.s32 $0x10  }
0x139: {  	s29 =	sadd.s32 $0xFFFFFFFF, s28;
	v6 =	vor.u32 s26, v0;
	[tilespmem:v8+s11+$0x0] =	vst.idx.msk vm1, v7  }
0x13a: {  	s21 =	sadd.s32 $0x10, s21;
	p2 =	por $0x1, $0x1;
	s28 =	smov.u32 s19;
	vm0 =	vlt.s32 v6, v5;
	[tilespmem:v8+s12+$0x0] =	vst.idx.msk vm1, v9  }
.LBB2_37:
0x13b: {  	p4 =	sne.s32 s29, $0x1;
	v7 =	vld [tilespmem:s21+$0x0];
	v8 =	vadd.s32 v4, v6;
	s28 =	sadd.s32 $0x10, s28  }
0x13c: {  	v9 =	vld [tilespmem:s28+$0x0]  }
.Ltmp26:
0x13d: {  	(pc) =	sbr.rel @p4 .LBB2_37-.Ltmp26, $4  }
0x13e: {  	_ = 	snop  }
0x13f: {  	s26 =	sadd.s32 $0x10, s26  }
0x140: {  	v6 =	vor.u32 s26, v0;
	[tilespmem:v8+s11+$0x0] =	vst.idx.msk vm0, v7  }
0x141: {  	s29 =	sadd.s32 $0xFFFFFFFF, s29;
	s21 =	sadd.s32 $0x10, s21;
	[tilespmem:v8+s12+$0x0] =	vst.idx.msk vm0, v9;
	vm0 =	vlt.s32 v6, v5  }
0x142: {  	vm1 =	vmmov vm0  }
.LBB2_39:
0x143: {  	s26 =	sadd.s32 @p2 $0x10, s28  }
0x144: {  	v7 =	vld [tilespmem:s21+$0x0];
	v6 =	vadd.s32 v4, v6;
	s19 =	smov.u32 @p2 s26  }
0x145: {  	v8 =	vld [tilespmem:s19+$0x0];
	_ =	sdelay $0x3  }
0x146: {  	[tilespmem:v6+s11+$0x0] =	vst.idx.msk vm1, v7  }
0x147: {  	[tilespmem:v6+s12+$0x0] =	vst.idx.msk vm1, v8  }
.LBB2_40:
0x148: {  	s19 =	sadd.s32 $0xF, s24  }
0x149: {  	p1 =	por p1, p3;
	s19 =	sshra.s32 s19, $0x4  }
0x14a: {  	p2 =	slt.s32 @!p1 s19, $0x1  }
0x14b: {  	p2 =	por p1, p2  }
.Ltmp27:
0x14c: {  	_ = 	snop;
	(pc) =	sbr.rel @p2 .LBB2_41-.Ltmp27, $1  }
0x14d: {  	_ =	sdelay $0x3  }
0x14e: {  	s26 =	sadd.s32 $0x2000, s25  }
0x14f: {  	v8 =	vld [tilespmem:s26+$0x0];
	_ =	sdelay $0x2  }
0x150: {  	s21 =	ssub.s32 $0x1D, s23  }
0x151: {  	v6 =	vmov s21  }
0x152: {  	s21 =	simm.s32 $0x0;
	v9 =	vshrl.u32 v8, v6  }
0x153: {  	v7 =	vmov s24;
	v10 =	vor.u32 s21, v0;
	v9 =	vand.u32 $0x1, v9  }
0x154: {  	vm0 =	vlt.s32 v10, v7;
	vm1 =	veq.s32 v9, $0x1  }
0x155: {  	vm1 =	vmand vm0, vm1  }
0x156: {  	vm2 =	veq.s32 v9, $0x0;
	v9 =	vsel vm1, $0x1, v1  }
0x157: {  	vm0 =	vmand vm0, vm2;
	(xrf0) =	vadd.scan.msk.s32 $0xffff, v9  }
0x158: {  	v9 =	vsel vm0, $0x1, v1  }
0x159: {  	(xrf0) =	vadd.scan.msk.s32 $0xffff, v9;
	_ =	sdelay $0x3  }
0x15a: {  	v9 =	vimm.s32 $0x0;
	v10, _, _ =	vpop (xrf0)  }
0x15b: {  	v10 =	vadd.s32 v10, v9  }
0x15c: {  	s23 =	sadd.s32 $0x6080, s25;
	v11, _, _ =	vpop (xrf0);
	v10 =	vadd.s32 $0xFFFFFFFF, v10  }
0x15d: {  	v12 =	vld [tilespmem:s23+$0x0];
	v11 =	vadd.s32 v11, v9  }
0x15e: {  	v11 =	vadd.s32 $0x1FFF, v11  }
0x15f: {  	p2 =	sgt.s32 s19, $0x1  }
.Ltmp28:
0x160: {  	_ = 	snop;
	(pc) =	sbr.rel @!p2 .LBB2_44-.Ltmp28, $4  }
0x161: {  	[tilespmem:v10+s9+$0x0] =	vst.idx.msk vm1, v8  }
0x162: {  	v13 =	vmpcnt.ones.xlane vm1;
	v14 =	vmpcnt.ones.xlane vm0;
	[tilespmem:v10+s10+$0x0] =	vst.idx.msk vm1, v12  }
0x163: {  	[tilespmem:v11+s9+$0x0] =	vst.idx.msk vm0, v8  }
0x164: {  	s25 =	simm.s32 $0x1;
	s26 =	sadd.s32 $0x10, s26;
	v8 =	vadd.s32 v9, v13;
	v9 =	vadd.s32 v9, v14;
	[tilespmem:v11+s10+$0x0] =	vst.idx.msk vm0, v12  }
.LBB2_43:
0x165: {  	v10 =	vld [tilespmem:s26+$0x0];
	s23 =	sadd.s32 $0x10, s23;
	v11 =	vmov v8;
	v12 =	vmov v9  }
0x166: {  	v13 =	vld [tilespmem:s23+$0x0];
	_ =	sdelay $0x1  }
0x167: {  	s25 =	sadd.s32 $0x1, s25  }
0x168: {  	p2 =	sgt.s32 s19, s25  }
0x169: {  	s21 =	sadd.s32 $0x10, s21;
	v14 =	vshrl.u32 v10, v6  }
0x16a: {  	v15 =	vor.u32 s21, v0;
	v14 =	vand.u32 $0x1, v14  }
0x16b: {  	vm1 =	vlt.s32 v15, v7;
	vm0 =	veq.s32 v14, $0x1  }
0x16c: {  	vm0 =	vmand vm1, vm0  }
0x16d: {  	vm2 =	veq.s32 v14, $0x0;
	v14 =	vsel vm0, $0x1, v1;
	v15 =	vmpcnt.ones.xlane vm0  }
0x16e: {  	vm1 =	vmand vm1, vm2;
	(xrf0) =	vadd.scan.msk.s32 $0xffff, v14  }
0x16f: {  	v14 =	vsel vm1, $0x1, v1;
	v8 =	vadd.s32 v8, v15;
	v15 =	vmpcnt.ones.xlane vm1  }
0x170: {  	(xrf0) =	vadd.scan.msk.s32 $0xffff, v14  }
0x171: {  	v9 =	vadd.s32 v9, v15;
	_ =	sdelay $0x2  }
0x172: {  	v14, _, _ =	vpop (xrf0)  }
0x173: {  	v11 =	vadd.s32 v14, v11  }
0x174: {  	v11 =	vadd.s32 $0xFFFFFFFF, v11;
	v14, _, _ =	vpop (xrf0)  }
0x175: {  	v12 =	vadd.s32 v14, v12  }
0x176: {  	v12 =	vadd.s32 $0x1FFF, v12;
	_ =	sdelay $0x1  }
.Ltmp29:
0x177: {  	(pc) =	sbr.rel @p2 .LBB2_43-.Ltmp29, $4  }
0x178: {  	[tilespmem:v11+s9+$0x0] =	vst.idx.msk vm0, v10  }
0x179: {  	[tilespmem:v11+s10+$0x0] =	vst.idx.msk vm0, v13  }
0x17a: {  	[tilespmem:v12+s9+$0x0] =	vst.idx.msk vm1, v10  }
0x17b: {  	s26 =	sadd.s32 $0x10, s26;
	[tilespmem:v12+s10+$0x0] =	vst.idx.msk vm1, v13  }
.LBB2_44:
.Ltmp30:
0x17c: {  	(pc) =	sbr.rel .LBB2_45-.Ltmp30, $2  }
0x17d: {  	_ =	sdelay $0x2  }
0x17e: {  	v7 =	vxor.u32 $0x80000000, v8;
	v6 =	vxor.u32 $0x80000000, v9  }
.LBB2_41:
0x17f: {  	v7 =	vpsel p1, $0x80000000, v2;
	v6 =	vpsel p1, $0x80000000, v2  }
.LBB2_45:
0x180: {  	(xrf0) =	vmax.scan.msk.u32 $0xffff, v7;
	_ =	sdelay $0x5  }
0x181: {  	v7, _, _ =	vpop (xrf0)  }
0x182: {  	(v2sf) =	vpush v7, $0xF;
	_ =	sdelay $0x4  }
0x183: {  	(xrf0) =	vmax.scan.msk.u32 $0xffff, v6;
	_ =	sdelay $0x5  }
0x184: {  	v6, _, _ =	vpop (xrf0)  }
0x185: {  	(v2sf) =	vpush v6, $0xF;
	_ =	sdelay $0x2  }
0x186: {  	s19 =	spop (v2sf)  }
0x187: {  	s19 =	sxor.u32 $0x80000000, s19  }
0x188: {  	p2 =	sge.s32 s19, s20;
	s23 =	smov.u32 s19  }
0x189: {  	s23 =	simm.s32 @p2 $0x0  }
0x18a: {  	s23 =	simm.s32 @p1 $0x0  }
0x18b: {  	s21 =	sadd.s32 $0xF, s23  }
0x18c: {  	s28 =	sshra.s32 s21, $0x4  }
0x18d: {  	p3 =	slt.s32 s28, $0x1  }
.Ltmp31:
0x18e: {  	_ = 	snop;
	(pc) =	sbr.rel @p3 .LBB2_53-.Ltmp31, $2  }
0x18f: {  	_ =	sdelay $0x2  }
0x190: {  	v4 =	vadd.s32 v4, v5;
	v5 =	vmov s23;
	s21 =	spop (v2sf)  }
0x191: {  	p4 =	sne.s32 s28, $0x1  }
.Ltmp32:
0x192: {  	_ = 	snop;
	(pc) =	sbr.rel @!p4 .LBB2_47-.Ltmp32, $4  }
0x193: {  	_ = 	snop  }
0x194: {  	s25 =	simm.s32 $0x0  }
0x195: {  	s26 =	simm.s32 $0xA100;
	v6 =	vor.u32 s25, v0  }
0x196: {  	s29 =	sadd.s32 $0xFFFFFFFF, s28;
	p3 =	por $0x0, $0x0;
	s25 =	simm.s32 $0xE180;
	vm1 =	vlt.s32 v6, v5  }
0x197: {  	v7 =	vld [tilespmem:s26+$0x0];
	v8 =	vadd.s32 v4, v6  }
0x198: {  	v9 =	vld [tilespmem:s25+$0x0];
	p4 =	sne.s32 s29, $0x1  }
.Ltmp33:
0x199: {  	_ = 	snop;
	(pc) =	sbr.rel @!p4 .LBB2_49-.Ltmp33, $4  }
0x19a: {  	_ = 	snop  }
0x19b: {  	s28 =	simm.s32 $0x10  }
0x19c: {  	s30 =	sadd.s32 $0xFFFFFFFF, s29;
	v6 =	vor.u32 s28, v0;
	[tilespmem:v8+s11+$0x0] =	vst.idx.msk vm1, v7  }
0x19d: {  	s26 =	simm.s32 $0xA110;
	p3 =	por $0x1, $0x1;
	s29 =	simm.s32 $0xE180;
	vm0 =	vlt.s32 v6, v5;
	[tilespmem:v8+s12+$0x0] =	vst.idx.msk vm1, v9  }
.LBB2_50:
0x19e: {  	p4 =	sne.s32 s30, $0x1;
	v7 =	vld [tilespmem:s26+$0x0];
	v8 =	vadd.s32 v4, v6;
	s29 =	sadd.s32 $0x10, s29  }
0x19f: {  	v9 =	vld [tilespmem:s29+$0x0]  }
.Ltmp34:
0x1a0: {  	(pc) =	sbr.rel @p4 .LBB2_50-.Ltmp34, $4  }
0x1a1: {  	_ = 	snop  }
0x1a2: {  	s28 =	sadd.s32 $0x10, s28  }
0x1a3: {  	v6 =	vor.u32 s28, v0;
	[tilespmem:v8+s11+$0x0] =	vst.idx.msk vm0, v7  }
0x1a4: {  	s30 =	sadd.s32 $0xFFFFFFFF, s30;
	s26 =	sadd.s32 $0x10, s26;
	[tilespmem:v8+s12+$0x0] =	vst.idx.msk vm0, v9;
	vm0 =	vlt.s32 v6, v5  }
0x1a5: {  	vm1 =	vmmov vm0  }
.LBB2_52:
0x1a6: {  	s28 =	sadd.s32 @p3 $0x10, s29  }
0x1a7: {  	v7 =	vld [tilespmem:s26+$0x0];
	v6 =	vadd.s32 v4, v6;
	s25 =	smov.u32 @p3 s28  }
0x1a8: {  	v8 =	vld [tilespmem:s25+$0x0];
	_ =	sdelay $0x3  }
0x1a9: {  	[tilespmem:v6+s11+$0x0] =	vst.idx.msk vm1, v7  }
0x1aa: {  	[tilespmem:v6+s12+$0x0] =	vst.idx.msk vm1, v8  }
.LBB2_53:
0x1ab: {  	s21 =	sxor.u32 $0x80000000, s21  }
0x1ac: {  	s20 =	ssub.s32 s20, s23;
	s21 =	smov.u32 @p2 s19  }
0x1ad: {  	p3 =	por !p1, !p1;
	s23 =	smov.u32 s20;
	s21 =	smov.u32 @p1 s24  }
0x1ae: {  	s23 =	simm.s32 @!p3 $0x0;
	p3 =	seq.s32 s21, s20  }
0x1af: {  	s23 =	simm.s32 @!p3 $0x0  }
0x1b0: {  	s31 =	sadd.s32 $0xF, s23  }
0x1b1: {  	s19 =	simm.s32 $0x0;
	s24 =	sshra.s32 s31, $0x4  }
0x1b2: {  	s19 =	simm.s32 @!p2 $0x2000;
	p2 =	slt.s32 s24, $0x1  }
.Ltmp35:
0x1b3: {  	_ = 	snop;
	(pc) =	sbr.rel @p2 .LBB2_61-.Ltmp35, $2  }
0x1b4: {  	_ =	sdelay $0x2  }
0x1b5: {  	v4 =	vadd.s32 v4, v5;
	s19 =	smov.u32 @p1 s22;
	v5 =	vmov s23  }
0x1b6: {  	p4 =	sne.s32 s24, $0x1  }
.Ltmp36:
0x1b7: {  	_ = 	snop;
	(pc) =	sbr.rel @!p4 .LBB2_55-.Ltmp36, $4  }
0x1b8: {  	_ = 	snop  }
0x1b9: {  	s22 =	sshll.u32 s19, $0x2;
	s25 =	simm.s32 $0x0  }
0x1ba: {  	p2 =	por $0x0, $0x0;
	s22 =	sshra.s32 s22, $0x2;
	v6 =	vor.u32 s25, v0  }
0x1bb: {  	s25 =	sadd.s32 $0xFFFFFFFF, s24;
	s23 =	sadd.s32 $0xA100, s22;
	s22 =	sadd.s32 $0xE180, s22;
	vm1 =	vlt.s32 v6, v5  }
0x1bc: {  	v7 =	vld [tilespmem:s23+$0x0];
	v8 =	vadd.s32 v4, v6  }
0x1bd: {  	v9 =	vld [tilespmem:s22+$0x0];
	p4 =	sne.s32 s25, $0x1  }
.Ltmp37:
0x1be: {  	_ = 	snop;
	(pc) =	sbr.rel @!p4 .LBB2_57-.Ltmp37, $4  }
0x1bf: {  	_ = 	snop  }
0x1c0: {  	s24 =	simm.s32 $0x10  }
0x1c1: {  	s26 =	sadd.s32 $0xFFFFFFFF, s25;
	v6 =	vor.u32 s24, v0;
	[tilespmem:v8+s11+$0x0] =	vst.idx.msk vm1, v7  }
0x1c2: {  	s23 =	sadd.s32 $0x10, s23;
	p2 =	por $0x1, $0x1;
	s25 =	smov.u32 s22;
	vm0 =	vlt.s32 v6, v5;
	[tilespmem:v8+s12+$0x0] =	vst.idx.msk vm1, v9  }
.LBB2_58:
0x1c3: {  	p4 =	sne.s32 s26, $0x1;
	v7 =	vld [tilespmem:s23+$0x0];
	v8 =	vadd.s32 v4, v6;
	s25 =	sadd.s32 $0x10, s25  }
0x1c4: {  	v9 =	vld [tilespmem:s25+$0x0]  }
.Ltmp38:
0x1c5: {  	(pc) =	sbr.rel @p4 .LBB2_58-.Ltmp38, $4  }
0x1c6: {  	_ = 	snop  }
0x1c7: {  	s24 =	sadd.s32 $0x10, s24  }
0x1c8: {  	v6 =	vor.u32 s24, v0;
	[tilespmem:v8+s11+$0x0] =	vst.idx.msk vm0, v7  }
0x1c9: {  	s26 =	sadd.s32 $0xFFFFFFFF, s26;
	s23 =	sadd.s32 $0x10, s23;
	[tilespmem:v8+s12+$0x0] =	vst.idx.msk vm0, v9;
	vm0 =	vlt.s32 v6, v5  }
.Ltmp39:
0x1ca: {  	(pc) =	sbr.rel .LBB2_60-.Ltmp39, $2  }
0x1cb: {  	_ =	sdelay $0x2  }
0x1cc: {  	vm1 =	vmmov vm0  }
.LBB2_26:
.Ltmp40:
0x1cd: {  	(pc) =	sbr.rel .LBB2_31-.Ltmp40, $2  }
0x1ce: {  	_ =	sdelay $0x2  }
0x1cf: {  	s30 =	simm.s32 $0x6080  }
.LBB2_34:
.Ltmp41:
0x1d0: {  	(pc) =	sbr.rel .LBB2_39-.Ltmp41, $2  }
0x1d1: {  	_ =	sdelay $0x2  }
0x1d2: {  	s28 =	smov.u32 s19  }
.LBB2_47:
.Ltmp42:
0x1d3: {  	(pc) =	sbr.rel .LBB2_52-.Ltmp42, $2  }
0x1d4: {  	_ =	sdelay $0x2  }
0x1d5: {  	s29 =	simm.s32 $0xE180  }
.LBB2_28:
.Ltmp43:
0x1d6: {  	(pc) =	sbr.rel .LBB2_31-.Ltmp43, $2  }
0x1d7: {  	_ =	sdelay $0x2  }
0x1d8: {  	s30 =	simm.s32 $0x6080;
	vm1 =	vmmov vm0  }
.LBB2_36:
.Ltmp44:
0x1d9: {  	(pc) =	sbr.rel .LBB2_39-.Ltmp44, $2  }
0x1da: {  	_ =	sdelay $0x2  }
0x1db: {  	s28 =	smov.u32 s19;
	vm1 =	vmmov vm0  }
.LBB2_49:
.Ltmp45:
0x1dc: {  	(pc) =	sbr.rel .LBB2_52-.Ltmp45, $2  }
0x1dd: {  	_ =	sdelay $0x2  }
0x1de: {  	s29 =	simm.s32 $0xE180;
	vm1 =	vmmov vm0  }
.LBB2_57:
.Ltmp46:
0x1df: {  	(pc) =	sbr.rel .LBB2_60-.Ltmp46, $2  }
0x1e0: {  	_ =	sdelay $0x2  }
0x1e1: {  	s25 =	smov.u32 s22;
	vm1 =	vmmov vm0  }
.LBB2_62:
0x1e2: {  	s18 =	sadd.s32 $0xF, s21  }
0x1e3: {  	s18 =	sshra.s32 s18, $0x4  }
0x1e4: {  	p2 =	slt.s32 s18, $0x1  }
0x1e5: {  	p2 =	por p1, p2  }
.Ltmp47:
0x1e6: {  	_ = 	snop;
	(pc) =	sbr.rel @p2 .LBB2_66-.Ltmp47, $2  }
0x1e7: {  	_ =	sdelay $0x2  }
0x1e8: {  	v5 =	vimm.s32 $0x80000000  }
0x1e9: {  	s22 =	sshll.u32 s19, $0x2  }
0x1ea: {  	s23 =	sshra.s32 s22, $0x2  }
0x1eb: {  	s24 =	sadd.s32 $0xA100, s23  }
0x1ec: {  	v6 =	vld [tilespmem:s24+$0x0];
	_ =	sdelay $0x3  }
0x1ed: {  	s22 =	simm.s32 $0x0  }
0x1ee: {  	v5 =	vmov s21;
	v7 =	vor.u32 s22, v0;
	v8 =	vand.u32 $0x1, v6  }
0x1ef: {  	vm0 =	vlt.s32 v7, v5;
	vm1 =	veq.s32 v8, $0x1  }
0x1f0: {  	vm1 =	vmand vm0, vm1  }
0x1f1: {  	vm2 =	veq.s32 v8, $0x0;
	v7 =	vsel vm1, $0x1, v1  }
0x1f2: {  	vm0 =	vmand vm0, vm2;
	(xrf0) =	vadd.scan.msk.s32 $0xffff, v7  }
0x1f3: {  	v7 =	vsel vm0, $0x1, v1  }
0x1f4: {  	(xrf0) =	vadd.scan.msk.s32 $0xffff, v7;
	_ =	sdelay $0x3  }
0x1f5: {  	v7 =	vimm.s32 $0x0;
	v8, _, _ =	vpop (xrf0)  }
0x1f6: {  	v8 =	vadd.s32 v8, v7  }
0x1f7: {  	s21 =	sadd.s32 $0xE180, s23;
	v9, _, _ =	vpop (xrf0);
	v8 =	vadd.s32 $0xFFFFFFFF, v8  }
0x1f8: {  	v10 =	vld [tilespmem:s21+$0x0];
	v9 =	vadd.s32 v9, v7  }
0x1f9: {  	v9 =	vadd.s32 $0x1FFF, v9  }
0x1fa: {  	p2 =	sgt.s32 s18, $0x1  }
.Ltmp48:
0x1fb: {  	_ = 	snop;
	(pc) =	sbr.rel @!p2 .LBB2_65-.Ltmp48, $4  }
0x1fc: {  	[tilespmem:v8+s13+$0x0] =	vst.idx.msk vm1, v6  }
0x1fd: {  	v11 =	vmpcnt.ones.xlane vm1;
	v12 =	vmpcnt.ones.xlane vm0;
	[tilespmem:v8+s15+$0x0] =	vst.idx.msk vm1, v10  }
0x1fe: {  	[tilespmem:v9+s13+$0x0] =	vst.idx.msk vm0, v6  }
0x1ff: {  	s23 =	simm.s32 $0x1;
	s24 =	sadd.s32 $0x10, s24;
	v6 =	vadd.s32 v7, v11;
	v7 =	vadd.s32 v7, v12;
	[tilespmem:v9+s15+$0x0] =	vst.idx.msk vm0, v10  }
.LBB2_64:
0x200: {  	v8 =	vld [tilespmem:s24+$0x0];
	s21 =	sadd.s32 $0x10, s21;
	v9 =	vmov v6;
	v10 =	vmov v7  }
0x201: {  	v11 =	vld [tilespmem:s21+$0x0];
	_ =	sdelay $0x1  }
0x202: {  	s23 =	sadd.s32 $0x1, s23  }
0x203: {  	s22 =	sadd.s32 $0x10, s22;
	p2 =	sgt.s32 s18, s23  }
0x204: {  	v12 =	vor.u32 s22, v0;
	v13 =	vand.u32 $0x1, v8  }
0x205: {  	vm1 =	vlt.s32 v12, v5;
	vm0 =	veq.s32 v13, $0x1  }
0x206: {  	vm0 =	vmand vm1, vm0  }
0x207: {  	vm2 =	veq.s32 v13, $0x0;
	v12 =	vsel vm0, $0x1, v1;
	v13 =	vmpcnt.ones.xlane vm0  }
0x208: {  	vm1 =	vmand vm1, vm2;
	(xrf0) =	vadd.scan.msk.s32 $0xffff, v12  }
0x209: {  	v12 =	vsel vm1, $0x1, v1;
	v6 =	vadd.s32 v6, v13;
	v13 =	vmpcnt.ones.xlane vm1  }
0x20a: {  	(xrf0) =	vadd.scan.msk.s32 $0xffff, v12  }
0x20b: {  	v7 =	vadd.s32 v7, v13;
	_ =	sdelay $0x2  }
0x20c: {  	v12, _, _ =	vpop (xrf0)  }
0x20d: {  	v9 =	vadd.s32 v12, v9  }
0x20e: {  	v9 =	vadd.s32 $0xFFFFFFFF, v9;
	v12, _, _ =	vpop (xrf0)  }
0x20f: {  	v10 =	vadd.s32 v12, v10  }
0x210: {  	v10 =	vadd.s32 $0x1FFF, v10;
	_ =	sdelay $0x1  }
.Ltmp49:
0x211: {  	(pc) =	sbr.rel @p2 .LBB2_64-.Ltmp49, $4  }
0x212: {  	[tilespmem:v9+s13+$0x0] =	vst.idx.msk vm0, v8  }
0x213: {  	[tilespmem:v9+s15+$0x0] =	vst.idx.msk vm0, v11  }
0x214: {  	[tilespmem:v10+s13+$0x0] =	vst.idx.msk vm1, v8  }
0x215: {  	s24 =	sadd.s32 $0x10, s24;
	[tilespmem:v10+s15+$0x0] =	vst.idx.msk vm1, v11  }
.LBB2_65:
0x216: {  	v5 =	vxor.u32 $0x80000000, v6  }
.LBB2_66:
0x217: {  	(xrf0) =	vmax.scan.msk.u32 $0xffff, v5;
	_ =	sdelay $0x5  }
0x218: {  	v5, _, _ =	vpop (xrf0)  }
0x219: {  	(v2sf) =	vpush v5, $0xF;
	_ =	sdelay $0xe  }
0x21a: {  	s18 =	spop (v2sf)  }
0x21b: {  	s18 =	sxor.u32 $0x80000000, s18  }
0x21c: {  	p2 =	sge.s32 s18, s20;
	s21 =	smov.u32 s18  }
0x21d: {  	s21 =	simm.s32 @p2 $0x0  }
0x21e: {  	s21 =	simm.s32 @p1 $0x0  }
0x21f: {  	s22 =	sadd.s32 $0xF, s21  }
0x220: {  	s23 =	sshra.s32 s22, $0x4  }
0x221: {  	p2 =	slt.s32 s23, $0x1  }
.Ltmp50:
0x222: {  	_ = 	snop;
	(pc) =	sbr.rel @p2 .LBB2_74-.Ltmp50, $2  }
0x223: {  	_ =	sdelay $0x2  }
0x224: {  	v5 =	vmov s21  }
0x225: {  	p3 =	sne.s32 s23, $0x1  }
.Ltmp51:
0x226: {  	_ = 	snop;
	(pc) =	sbr.rel @!p3 .LBB2_68-.Ltmp51, $4  }
0x227: {  	_ = 	snop  }
0x228: {  	s21 =	simm.s32 $0x0  }
0x229: {  	s22 =	simm.s32 $0x2000;
	v6 =	vor.u32 s21, v0  }
0x22a: {  	s24 =	sadd.s32 $0xFFFFFFFF, s23;
	p2 =	por $0x0, $0x0;
	s21 =	simm.s32 $0x6080;
	vm1 =	vlt.s32 v6, v5  }
0x22b: {  	v7 =	vld [tilespmem:s22+$0x0];
	v8 =	vadd.s32 v4, v6  }
0x22c: {  	v9 =	vld [tilespmem:s21+$0x0];
	p3 =	sne.s32 s24, $0x1  }
.Ltmp52:
0x22d: {  	_ = 	snop;
	(pc) =	sbr.rel @!p3 .LBB2_70-.Ltmp52, $4  }
0x22e: {  	_ = 	snop  }
0x22f: {  	s23 =	simm.s32 $0x10  }
0x230: {  	s25 =	sadd.s32 $0xFFFFFFFF, s24;
	v6 =	vor.u32 s23, v0;
	[tilespmem:v8+s11+$0x0] =	vst.idx.msk vm1, v7  }
0x231: {  	s22 =	simm.s32 $0x2010;
	p2 =	por $0x1, $0x1;
	s24 =	simm.s32 $0x6080;
	vm0 =	vlt.s32 v6, v5;
	[tilespmem:v8+s12+$0x0] =	vst.idx.msk vm1, v9  }
.LBB2_71:
0x232: {  	p3 =	sne.s32 s25, $0x1;
	v7 =	vld [tilespmem:s22+$0x0];
	v8 =	vadd.s32 v4, v6;
	s24 =	sadd.s32 $0x10, s24  }
0x233: {  	v9 =	vld [tilespmem:s24+$0x0]  }
.Ltmp53:
0x234: {  	(pc) =	sbr.rel @p3 .LBB2_71-.Ltmp53, $4  }
0x235: {  	_ = 	snop  }
0x236: {  	s23 =	sadd.s32 $0x10, s23  }
0x237: {  	v6 =	vor.u32 s23, v0;
	[tilespmem:v8+s11+$0x0] =	vst.idx.msk vm0, v7  }
0x238: {  	s25 =	sadd.s32 $0xFFFFFFFF, s25;
	s22 =	sadd.s32 $0x10, s22;
	[tilespmem:v8+s12+$0x0] =	vst.idx.msk vm0, v9;
	vm0 =	vlt.s32 v6, v5  }
0x239: {  	vm1 =	vmmov vm0  }
.LBB2_73:
0x23a: {  	s23 =	sadd.s32 @p2 $0x10, s24  }
0x23b: {  	v7 =	vld [tilespmem:s22+$0x0];
	v6 =	vadd.s32 v4, v6;
	s21 =	smov.u32 @p2 s23  }
0x23c: {  	v8 =	vld [tilespmem:s21+$0x0];
	_ =	sdelay $0x3  }
0x23d: {  	[tilespmem:v6+s11+$0x0] =	vst.idx.msk vm1, v7  }
0x23e: {  	[tilespmem:v6+s12+$0x0] =	vst.idx.msk vm1, v8  }
.LBB2_74:
0x23f: {  	p2 =	slt.s32 s18, s20  }
0x240: {  	s18 =	simm.s32 @!p2 $0x0  }
0x241: {  	s18 =	ssub.s32 s20, s18  }
0x242: {  	s18 =	simm.s32 @p1 $0x0  }
0x243: {  	s31 =	sadd.s32 $0xF, s18  }
0x244: {  	s20 =	sshra.s32 s31, $0x4  }
0x245: {  	p3 =	slt.s32 s20, $0x1  }
.Ltmp54:
0x246: {  	_ = 	snop;
	(pc) =	sbr.rel @p3 .LBB2_82-.Ltmp54, $1  }
0x247: {  	_ =	sdelay $0x3  }
0x248: {  	s21 =	simm.s32 $0x2000  }
0x249: {  	s21 =	simm.s32 @!p2 $0x0;
	p2 =	seq.s32 s20, $0x1  }
.Ltmp55:
0x24a: {  	_ = 	snop;
	(pc) =	sbr.rel @p2 .LBB2_76-.Ltmp55, $4  }
0x24b: {  	s21 =	smov.u32 @p1 s19  }
0x24c: {  	s31 =	simm.s32 $0x0;
	s19 =	sshll.u32 s21, $0x2  }
0x24d: {  	v4 =	vadd.s32 v4, v5;
	v5 =	vmov s18;
	v6 =	vor.u32 s31, v0;
	p1 =	por $0x0, $0x0;
	s21 =	sshra.s32 s19, $0x2  }
0x24e: {  	vm1 =	vlt.s32 v6, v5;
	s19 =	sadd.s32 $0x2000, s21;
	s18 =	sadd.s32 $0x6080, s21;
	s21 =	sadd.s32 $0xFFFFFFFF, s20  }
0x24f: {  	v7 =	vld [tilespmem:s19+$0x0];
	v8 =	vadd.s32 v6, v4  }
0x250: {  	v9 =	vld [tilespmem:s18+$0x0];
	p2 =	seq.s32 s21, $0x1  }
.Ltmp56:
0x251: {  	_ = 	snop;
	(pc) =	sbr.rel @p2 .LBB2_78-.Ltmp56, $4  }
0x252: {  	_ = 	snop  }
0x253: {  	s20 =	simm.s32 $0x10  }
0x254: {  	s22 =	sadd.s32 $0xFFFFFFFF, s21;
	v6 =	vor.u32 s20, v0;
	[tilespmem:v8+s11+$0x0] =	vst.idx.msk vm1, v7  }
0x255: {  	s19 =	sadd.s32 $0x10, s19;
	p1 =	por $0x1, $0x1;
	s21 =	smov.u32 s18;
	vm0 =	vlt.s32 v6, v5;
	[tilespmem:v8+s12+$0x0] =	vst.idx.msk vm1, v9  }
.LBB2_79:
0x256: {  	p2 =	seq.s32 s22, $0x1;
	v7 =	vld [tilespmem:s19+$0x0];
	v8 =	vadd.s32 v6, v4;
	s21 =	sadd.s32 $0x10, s21  }
0x257: {  	v9 =	vld [tilespmem:s21+$0x0]  }
.Ltmp57:
0x258: {  	(pc) =	sbr.rel @!p2 .LBB2_79-.Ltmp57, $4  }
0x259: {  	_ = 	snop  }
0x25a: {  	s20 =	sadd.s32 $0x10, s20  }
0x25b: {  	v6 =	vor.u32 s20, v0;
	[tilespmem:v8+s11+$0x0] =	vst.idx.msk vm0, v7  }
0x25c: {  	s22 =	sadd.s32 $0xFFFFFFFF, s22;
	s19 =	sadd.s32 $0x10, s19;
	[tilespmem:v8+s12+$0x0] =	vst.idx.msk vm0, v9;
	vm0 =	vlt.s32 v6, v5  }
.Ltmp58:
0x25d: {  	(pc) =	sbr.rel .LBB2_81-.Ltmp58, $2  }
0x25e: {  	_ =	sdelay $0x2  }
0x25f: {  	vm1 =	vmmov vm0  }
.LBB2_6:
.Ltmp59:
0x260: {  	(pc) =	sbr.rel .LBB2_11-.Ltmp59, $2  }
0x261: {  	_ =	sdelay $0x2  }
0x262: {  	s23 =	simm.s32 $0xE180  }
.LBB2_14:
.Ltmp60:
0x263: {  	(pc) =	sbr.rel .LBB2_17-.Ltmp60, $2  }
0x264: {  	_ =	sdelay $0x2  }
0x265: {  	_ = 	snop  }
.LBB2_68:
.Ltmp61:
0x266: {  	(pc) =	sbr.rel .LBB2_73-.Ltmp61, $2  }
0x267: {  	_ =	sdelay $0x2  }
0x268: {  	s24 =	simm.s32 $0x6080  }
.LBB2_8:
.Ltmp62:
0x269: {  	(pc) =	sbr.rel .LBB2_11-.Ltmp62, $2  }
0x26a: {  	_ =	sdelay $0x2  }
0x26b: {  	s23 =	simm.s32 $0xE180;
	vm1 =	vmmov vm0;
	v6 =	vmov v5  }
.LBB2_70:
.Ltmp63:
0x26c: {  	(pc) =	sbr.rel .LBB2_73-.Ltmp63, $2  }
0x26d: {  	_ =	sdelay $0x2  }
0x26e: {  	s24 =	simm.s32 $0x6080;
	vm1 =	vmmov vm0  }
.LBB2_78:
.Ltmp64:
0x26f: {  	(pc) =	sbr.rel .LBB2_81-.Ltmp64, $2  }
0x270: {  	_ =	sdelay $0x2  }
0x271: {  	s21 =	smov.u32 s18;
	vm1 =	vmmov vm0  }
.LBB2_84:
0x272: {  	_ =	sfence.sel $0x180000  }
0x273: {  	[bflag:$0x0] =	sbarrier.arrive $0xFFFF  }
0x274: {  	p0 =	sne.s32 s4, $0x0;
	_ =	strace $0x90000047  }
0x275: {  	s0 =	sadd.s32 @!p0 $0x100000, s0;
	[bflag:$0x2] =	sbarrier.arrive $0xFFFF  }
0x276: {  	[sflag:s0] =	ssyncadd.tile.s32 @!p0 $0x1;
	_ =	shalt  }
.Lfunc_end2:
_tile_overlayer_lowered:
.L_overlay_start_2:
0x277: {  	(tag) =	ssettag $0x2  }
0x278: {  	s0 =	rddreg [dreg:$0x0];
	s2 =	stileid.u32  }
0x279: {  	s1 =	rddreg [dreg:$0x1];
	p0 =	sne.s32 s2, $0x0  }
0x27a: {  	s3 =	rddreg [dreg:$0x2];
	[bflag:$0x3] =	sbarrier.arrive $0xFFFF;
	s2 =	simm.s32 @!p0 $0x1C01  }
0x27b: {  	[timem:s3], [sflag:s2] =	dma.local @!p0 [hbm:s0], s1  }
0x27c: {  	s0 =	simm.s32 @!p0 $0x1  }
0x27d: {  	_ =	swait.ge @!p0 [sflag:s0], s1  }
0x27e: {  	s1 =	ssub.s32 @!p0 $0x0, s1;
	[sflag:s0] =	ssyncset.done @!p0 $0x0  }
0x27f: {  	[sflag:s0] =	ssyncadd.s32 @!p0 s1  }
0x280: {  	[bflag:$0x3] =	sbarrier.arrive $0xFFFF  }
0x281: {  	_ =	shalt  }

</sc_bundles>
